<compile_context>
chip_gen: v7x
topology: tpu7x:2x2x1
jax: 0.10.2.dev20260603
libtpu: 0.0.44.dev20260713+nightly
codegen_flags: <defaults>
</compile_context>

<pallas_src>
import functools

import jax
import jax.numpy as jnp
from jax import lax
from jax.experimental import pallas as pl
from jax.experimental.pallas import tpu as pltpu
from jax.experimental.pallas import tpu_sc as plsc

N = 10000
E = 320000
D = 128
H = 16
NT = 10112
NC, NS = 2, 16
NW = NC * NS
CHUNK = 128
ECH = E // CHUNK
CPT = 79
CPT_LAST = ECH - 31 * CPT
RPT = NT // NS
RPW = NT // NW

_mesh = plsc.VectorSubcoreMesh(
    core_axis_name="c", subcore_axis_name="s", num_cores=NC, num_subcores=NS
)

_sc_params = pltpu.CompilerParams(
    use_tc_tiling_on_sc=False, needs_layout_passes=False
)

_f32 = jnp.float32


def _rsqrt(x):
    xi = lax.bitcast_convert_type(x, jnp.int32)
    y = lax.bitcast_convert_type(jnp.int32(0x5F3759DF) - (xi >> 1), _f32)
    xh = 0.5 * x
    y = y * (1.5 - xh * y * y)
    y = y * (1.5 - xh * y * y)
    y = y * (1.5 - xh * y * y)
    return y


def _stage_indices(e_hbm, row, wid, idx_v):
    base = wid * CPT

    @pl.when(wid < NW - 1)
    def _():
        pltpu.sync_copy(e_hbm.at[row, pl.ds(base, CPT)], idx_v)

    @pl.when(wid == NW - 1)
    def _():
        pltpu.sync_copy(
            e_hbm.at[row, pl.ds(base, CPT_LAST)], idx_v.at[pl.ds(0, CPT_LAST)]
        )


def _gs_loop(nch, src_v, dst_v, tab_sh, acc_sh, buf_v):

    @pl.loop(0, CPT)
    def _(j):
        @pl.when(j < nch)
        def _():
            pltpu.sync_copy(tab_sh.at[src_v.at[j]], buf_v)
            pltpu.sync_copy(buf_v, acc_sh.at[dst_v.at[j]], add=True)



@functools.partial(
    pl.kernel,
    out_type=jax.ShapeDtypeStruct((NC, NT, H), _f32),
    mesh=_mesh,
    compiler_params=_sc_params,
    scratch_types=[
        pltpu.VMEM_SHARED((NT, H), _f32),
        pltpu.VMEM((CPT, CHUNK), jnp.int32),
        pltpu.VMEM((CHUNK, H), _f32),
    ],
)
def _sc_degree(e_hbm, ones_hbm, zeros_hbm, out_hbm, acc_sh, dst_v, ones_v):
    c = lax.axis_index("c")
    s = lax.axis_index("s")
    wid = s * NC + c
    nch = jnp.where(wid == NW - 1, CPT_LAST, CPT)
    _stage_indices(e_hbm, 1, wid, dst_v)
    pltpu.sync_copy(ones_hbm, ones_v)
    pltpu.sync_copy(
        zeros_hbm.at[pl.ds(s * RPT, RPT)], acc_sh.at[pl.ds(s * RPT, RPT)]
    )
    plsc.subcore_barrier()

    @pl.loop(0, CPT)
    def _(j):
        @pl.when(j < nch)
        def _():
            pltpu.sync_copy(ones_v, acc_sh.at[dst_v.at[j]], add=True)

    plsc.subcore_barrier()
    pltpu.sync_copy(
        acc_sh.at[pl.ds(s * RPT, RPT)], out_hbm.at[c, pl.ds(s * RPT, RPT)]
    )


@functools.partial(
    pl.kernel,
    out_type=(
        jax.ShapeDtypeStruct((NC, NT, H), _f32),
        jax.ShapeDtypeStruct((NT, H), _f32),
        jax.ShapeDtypeStruct((NT, H), _f32),
    ),
    mesh=_mesh,
    compiler_params=_sc_params,
    scratch_types=[
        pltpu.VMEM_SHARED((NT, H), _f32),
        pltpu.VMEM_SHARED((NT, H), _f32),
        pltpu.VMEM((CPT, CHUNK), jnp.int32),
        pltpu.VMEM((CPT, CHUNK), jnp.int32),
        pltpu.VMEM((CHUNK, H), _f32),
        pltpu.VMEM((RPT, H), _f32),
        pltpu.VMEM((RPT, H), _f32),
        pltpu.VMEM((RPT, H), _f32),
    ],
)
def _sc_gs1(
    h_hbm, degp_hbm, e_hbm, zeros_hbm,
    agg_hbm, hn_hbm, isd_hbm,
    acc_sh, tab_sh, src_v, dst_v, buf_v, hb_v, d0_v, d1_v,
):
    c = lax.axis_index("c")
    s = lax.axis_index("s")
    wid = s * NC + c
    nch = jnp.where(wid == NW - 1, CPT_LAST, CPT)
    rows = pl.ds(s * RPT, RPT)
    _stage_indices(e_hbm, 0, wid, src_v)
    _stage_indices(e_hbm, 1, wid, dst_v)
    pltpu.sync_copy(zeros_hbm.at[rows], acc_sh.at[rows])
    pltpu.sync_copy(h_hbm.at[rows], hb_v)
    pltpu.sync_copy(degp_hbm.at[0, rows], d0_v)
    pltpu.sync_copy(degp_hbm.at[1, rows], d1_v)

    @pl.loop(0, RPT)
    def _(r):
        isd = _rsqrt(d0_v[r] + d1_v[r] + 1.0)
        d0_v[r] = isd
        hb_v[r] = hb_v[r] * isd

    pltpu.sync_copy(hb_v, tab_sh.at[rows])

    @pl.when(c == 0)
    def _():
        pltpu.sync_copy(hb_v, hn_hbm.at[rows])
        pltpu.sync_copy(d0_v, isd_hbm.at[rows])

    plsc.subcore_barrier()
    _gs_loop(nch, src_v, dst_v, tab_sh, acc_sh, buf_v)
    plsc.subcore_barrier()
    pltpu.sync_copy(acc_sh.at[rows], agg_hbm.at[c, rows])


@functools.partial(
    pl.kernel,
    out_type=(
        jax.ShapeDtypeStruct((NC, NT, H), _f32),
        jax.ShapeDtypeStruct((NT, H), _f32),
    ),
    mesh=_mesh,
    compiler_params=_sc_params,
    scratch_types=[
        pltpu.VMEM_SHARED((NT, H), _f32),
        pltpu.VMEM_SHARED((NT, H), _f32),
        pltpu.VMEM((CPT, CHUNK), jnp.int32),
        pltpu.VMEM((CPT, CHUNK), jnp.int32),
        pltpu.VMEM((CHUNK, H), _f32),
        pltpu.VMEM((RPT, H), _f32),
        pltpu.VMEM((RPT, H), _f32),
        pltpu.VMEM((RPT, H), _f32),
        pltpu.VMEM((RPT, H), _f32),
        pltpu.VMEM((2, H), _f32),
    ],
)
def _sc_gs2(
    aggp_hbm, hn_hbm, isd_hbm, wb_hbm, e_hbm, zeros_hbm,
    agg_hbm, g_hbm,
    acc_sh, tab_sh, src_v, dst_v, buf_v, a0_v, a1_v, hn_v, isd_v, wb_v,
):
    c = lax.axis_index("c")
    s = lax.axis_index("s")
    wid = s * NC + c
    nch = jnp.where(wid == NW - 1, CPT_LAST, CPT)
    rows = pl.ds(s * RPT, RPT)
    _stage_indices(e_hbm, 0, wid, src_v)
    _stage_indices(e_hbm, 1, wid, dst_v)
    pltpu.sync_copy(zeros_hbm.at[rows], acc_sh.at[rows])
    pltpu.sync_copy(aggp_hbm.at[0, rows], a0_v)
    pltpu.sync_copy(aggp_hbm.at[1, rows], a1_v)
    pltpu.sync_copy(hn_hbm.at[rows], hn_v)
    pltpu.sync_copy(isd_hbm.at[rows], isd_v)
    pltpu.sync_copy(wb_hbm, wb_v)

    @pl.loop(0, RPT)
    def _(r):
        isd = isd_v[r]
        a1 = jnp.maximum((a0_v[r] + a1_v[r] + hn_v[r]) * isd, 0.0)
        a0_v[r] = (a1 * wb_v[0] + wb_v[1]) * isd

    pltpu.sync_copy(a0_v, tab_sh.at[rows])

    @pl.when(c == 0)
    def _():
        pltpu.sync_copy(a0_v, g_hbm.at[rows])

    plsc.subcore_barrier()
    _gs_loop(nch, src_v, dst_v, tab_sh, acc_sh, buf_v)
    plsc.subcore_barrier()
    pltpu.sync_copy(acc_sh.at[rows], agg_hbm.at[c, rows])


@functools.partial(
    pl.kernel,
    out_type=jax.ShapeDtypeStruct((NT, H), _f32),
    mesh=_mesh,
    compiler_params=_sc_params,
    scratch_types=[
        pltpu.VMEM((RPW, H), _f32),
        pltpu.VMEM((RPW, H), _f32),
        pltpu.VMEM((RPW, H), _f32),
        pltpu.VMEM((RPW, H), _f32),
        pltpu.VMEM((H,), _f32),
    ],
)
def _sc_final(aggp_hbm, g_hbm, isd_hbm, out_hbm, a0_v, a1_v, g_v, isd_v, scr_v):
    c = lax.axis_index("c")
    s = lax.axis_index("s")
    wid = s * NC + c
    rows = pl.ds(wid * RPW, RPW)
    pltpu.sync_copy(aggp_hbm.at[0, rows], a0_v)
    pltpu.sync_copy(aggp_hbm.at[1, rows], a1_v)
    pltpu.sync_copy(g_hbm.at[rows], g_v)
    pltpu.sync_copy(isd_hbm.at[rows], isd_v)
    lane = jnp.arange(H, dtype=jnp.int32)

    @pl.loop(0, RPW)
    def _(r):
        t = a0_v[r] + a1_v[r] + g_v[r]
        for k in (8, 4, 2, 1):
            scr_v[...] = t
            t = t + plsc.load_gather(scr_v, [lane ^ k])
        t = t * isd_v[r]
        a0_v[r] = 1.0 / (1.0 + jnp.exp(-t))

    pltpu.sync_copy(a0_v, out_hbm.at[rows])



def _tc_mm_body(x_ref, w_ref, b_ref, h_ref):
    h = jnp.dot(x_ref[...], w_ref[...], preferred_element_type=_f32) + b_ref[...]
    h_ref[pl.ds(0, N), :] = h
    h_ref[pl.ds(N, NT - N), :] = jnp.zeros((NT - N, H), _f32)


_tc_mm = pl.pallas_call(_tc_mm_body, out_shape=jax.ShapeDtypeStruct((NT, H), _f32))



@jax.jit
def kernel(x, edge_index, W1, b1, W2, b2):
    e3 = edge_index.reshape(2, ECH, CHUNK)
    zeros16 = jnp.zeros((NT, H), _f32)
    ones16 = jnp.ones((CHUNK, H), _f32)
    wb = jnp.stack([W2.reshape(H), jnp.broadcast_to(b2.reshape(1) / H, (H,))])

    h = _tc_mm(x, W1, b1.reshape(1, H))
    degp = _sc_degree(e3, ones16, zeros16)
    aggp, hn, isd = _sc_gs1(h, degp, e3, zeros16)
    aggp2, g = _sc_gs2(aggp, hn, isd, wb, e3, zeros16)
    out = _sc_final(aggp2, g, isd)
    return out[:N, :1]

# --- scband reference (transcript-rebuilt; emitter-appended) ---
"""Pipeline reference for scband-gnnmodel-4458176053748 (READ-ONLY COPY).

The authoritative reference and input builder live on the scoring server;
editing this copy changes nothing except your own understanding.
"""

import jax, jax.numpy as jnp
import numpy as np

N = 10000
E = 320000
D = 128
H1 = 16
H2 = 1


def _gcn_layer(x, src, dst, W, b, act):
    # linear transform first (cheaper since out_dim is small)
    h = x @ W + b
    # degree with self-loop (GCN symmetric normalization)
    deg = jnp.zeros((N,), dtype=x.dtype).at[dst].add(1.0) + 1.0
    inv_sqrt_deg = jax.lax.rsqrt(deg)
    norm_e = inv_sqrt_deg[src] * inv_sqrt_deg[dst]
    msg = h[src] * norm_e[:, None]
    agg = jnp.zeros_like(h).at[dst].add(msg)
    # self-loop contribution
    agg = agg + h * (inv_sqrt_deg * inv_sqrt_deg)[:, None]
    return act(agg)


def setup_inputs(seed: int = 0) -> dict:
    key = jax.random.key(seed)
    k1, k2, k3, k4 = jax.random.split(key, 4)
    x = jax.random.normal(k1, (N, D), dtype=jnp.float32)
    edge_index = jax.random.randint(k2, (2, E), 0, N, dtype=jnp.int32)
    W1 = jax.random.normal(k3, (D, H1), dtype=jnp.float32) * 0.05
    b1 = jnp.zeros((H1,), dtype=jnp.float32)
    W2 = jax.random.normal(k4, (H1, H2), dtype=jnp.float32) * 0.05
    b2 = jnp.zeros((H2,), dtype=jnp.float32)
    return {"x": x, "edge_index": edge_index, "W1": W1, "b1": b1, "W2": W2, "b2": b2}


def reference(x, edge_index, W1, b1, W2, b2):
    src = edge_index[0]
    dst = edge_index[1]
    h = _gcn_layer(x, src, dst, W1, b1, jax.nn.relu)
    out = _gcn_layer(h, src, dst, W2, b2, jax.nn.sigmoid)
    return out

if __name__ == "__main__":
    import jax
    _d = setup_inputs()
    print(jax.jit(kernel)(*tuple(_d.values())))

</pallas_src>

<mosaic_0001>
#map = affine_map<(d0, d1) -> (0, 0, 0)>
#map1 = affine_map<(d0, d1) -> (0, 0)>
module attributes {stable_mosaic.version = 14 : i64} {
  func.func @_sc_degree(%arg0: i32, %arg1: i32, %arg2: memref<2x2500x128xi32, #tpu.memory_space<hbm>>, %arg3: memref<128x16xf32, #tpu.memory_space<hbm>>, %arg4: memref<10112x16xf32, #tpu.memory_space<hbm>>, %arg5: memref<2x10112x16xf32, #tpu.memory_space<hbm>>, %arg6: memref<10112x16xf32, #tpu.memory_space<vmem_shared>>, %arg7: memref<79x128xi32, #tpu.memory_space<vmem>>, %arg8: memref<128x16xf32, #tpu.memory_space<vmem>>) attributes {dimension_semantics = [#tpu.dimension_semantics<core_parallel>, #tpu.dimension_semantics<subcore_parallel>], iteration_bounds = array<i64: 2, 16>, scalar_prefetch = 0 : i64, scratch_operands = 3 : i64, tpu.core_type = #tpu.core_type<sc_vector_subcore>, window_params = [{transform_indices = #map}, {transform_indices = #map1}, {transform_indices = #map1}, {transform_indices = #map}]} {
    %mul3A = arith.constant 2 : i32
    %mul3A_0 = arith.muli %arg1, %mul3A : i32
    %add3A = arith.addi %mul3A_0, %arg0 : i32
    %eq3A = arith.constant 31 : i32
    %eq3A_1 = arith.cmpi eq, %add3A, %eq3A : i32
    %jit3A = arith.constant 51 : i32
    %jit3A_2 = arith.constant 79 : i32
    %select_n3A = arith.select %eq3A_1, %jit3A, %jit3A_2 : i32
    %mul3A_3 = arith.constant 79 : i32
    %mul3A_4 = arith.muli %add3A, %mul3A_3 : i32
    %lt3A = arith.constant 31 : i32
    %lt3A_5 = arith.cmpi slt, %add3A, %lt3A : i32
    %convert_element_type3A = arith.extui %lt3A_5 : i1 to i32
    %cond3A = arith.constant 0 : i32
    %cond3A_6 = arith.cmpi ne, %convert_element_type3A, %cond3A : i32
    scf.if %cond3A_6 {
      %run_scoped3A = arith.constant 1 : i32
      "tpu.region"() ({
        %run_scoped3A_25 = tpu.sem_alloc : memref<!tpu.dma_semaphore, #tpu.memory_space<semaphore_mem>>
        %dma_start3A = arith.constant 0 : i32
        %dma_start3A_26 = tpu.memref_slice %arg2[%run_scoped3A, %mul3A_4, %dma_start3A] : memref<2x2500x128xi32, #tpu.memory_space<hbm>> -> memref<1x79x128xi32, #tpu.memory_space<hbm>>
        %dma_start3A_27 = tpu.memref_squeeze %dma_start3A_26 : memref<1x79x128xi32, #tpu.memory_space<hbm>> -> memref<79x128xi32, #tpu.memory_space<hbm>>
        %dma_start3A_28 = arith.constant 0 : i32
        %dma_start3A_29 = tpu.memref_slice %arg2[%run_scoped3A, %mul3A_4, %dma_start3A_28] : memref<2x2500x128xi32, #tpu.memory_space<hbm>> -> memref<1x79x128xi32, #tpu.memory_space<hbm>>
        %dma_start3A_30 = tpu.memref_squeeze %dma_start3A_29 : memref<1x79x128xi32, #tpu.memory_space<hbm>> -> memref<79x128xi32, #tpu.memory_space<hbm>>
        tpu.enqueue_dma source(%dma_start3A_30 : memref<79x128xi32, #tpu.memory_space<hbm>>) target(%arg7 : memref<79x128xi32, #tpu.memory_space<vmem>>) target_semaphore(%run_scoped3A_25 : memref<!tpu.dma_semaphore, #tpu.memory_space<semaphore_mem>>)
        %dma_wait3A = arith.constant 0 : i32
        %dma_wait3A_31 = tpu.memref_slice %arg2[%run_scoped3A, %mul3A_4, %dma_wait3A] : memref<2x2500x128xi32, #tpu.memory_space<hbm>> -> memref<1x79x128xi32, #tpu.memory_space<hbm>>
        %dma_wait3A_32 = tpu.memref_squeeze %dma_wait3A_31 : memref<1x79x128xi32, #tpu.memory_space<hbm>> -> memref<79x128xi32, #tpu.memory_space<hbm>>
        %dma_wait3A_33 = arith.constant 0 : i32
        %dma_wait3A_34 = tpu.memref_slice %arg2[%run_scoped3A, %mul3A_4, %dma_wait3A_33] : memref<2x2500x128xi32, #tpu.memory_space<hbm>> -> memref<1x79x128xi32, #tpu.memory_space<hbm>>
        %dma_wait3A_35 = tpu.memref_squeeze %dma_wait3A_34 : memref<1x79x128xi32, #tpu.memory_space<hbm>> -> memref<79x128xi32, #tpu.memory_space<hbm>>
        tpu.wait_dma2 semaphore(%run_scoped3A_25 : memref<!tpu.dma_semaphore, #tpu.memory_space<semaphore_mem>>) src(%dma_wait3A_35 : memref<79x128xi32, #tpu.memory_space<hbm>>) dst(%arg7 : memref<79x128xi32, #tpu.memory_space<vmem>>)
        tpu.yield
      }) : () -> ()
    } else {
    }
    %eq3A_7 = arith.constant 31 : i32
    %eq3A_8 = arith.cmpi eq, %add3A, %eq3A_7 : i32
    %convert_element_type3A_9 = arith.extui %eq3A_8 : i1 to i32
    %cond3A_10 = arith.constant 0 : i32
    %cond3A_11 = arith.cmpi ne, %convert_element_type3A_9, %cond3A_10 : i32
    scf.if %cond3A_11 {
      %run_scoped3A = arith.constant 1 : i32
      "tpu.region"() ({
        %run_scoped3A_25 = tpu.sem_alloc : memref<!tpu.dma_semaphore, #tpu.memory_space<semaphore_mem>>
        %dma_start3A = arith.constant 0 : i32
        %dma_start3A_26 = arith.constant 0 : i32
        %dma_start3A_27 = tpu.memref_slice %arg7[%dma_start3A, %dma_start3A_26] : memref<79x128xi32, #tpu.memory_space<vmem>> -> memref<51x128xi32, #tpu.memory_space<vmem>>
        %dma_start3A_28 = arith.constant 0 : i32
        %dma_start3A_29 = tpu.memref_slice %arg2[%run_scoped3A, %mul3A_4, %dma_start3A_28] : memref<2x2500x128xi32, #tpu.memory_space<hbm>> -> memref<1x51x128xi32, #tpu.memory_space<hbm>>
        %dma_start3A_30 = tpu.memref_squeeze %dma_start3A_29 : memref<1x51x128xi32, #tpu.memory_space<hbm>> -> memref<51x128xi32, #tpu.memory_space<hbm>>
        %dma_start3A_31 = arith.constant 0 : i32
        %dma_start3A_32 = arith.constant 0 : i32
        %dma_start3A_33 = tpu.memref_slice %arg7[%dma_start3A_31, %dma_start3A_32] : memref<79x128xi32, #tpu.memory_space<vmem>> -> memref<51x128xi32, #tpu.memory_space<vmem>>
        %dma_start3A_34 = arith.constant 0 : i32
        %dma_start3A_35 = tpu.memref_slice %arg2[%run_scoped3A, %mul3A_4, %dma_start3A_34] : memref<2x2500x128xi32, #tpu.memory_space<hbm>> -> memref<1x51x128xi32, #tpu.memory_space<hbm>>
        %dma_start3A_36 = tpu.memref_squeeze %dma_start3A_35 : memref<1x51x128xi32, #tpu.memory_space<hbm>> -> memref<51x128xi32, #tpu.memory_space<hbm>>
        tpu.enqueue_dma source(%dma_start3A_36 : memref<51x128xi32, #tpu.memory_space<hbm>>) target(%dma_start3A_33 : memref<51x128xi32, #tpu.memory_space<vmem>>) target_semaphore(%run_scoped3A_25 : memref<!tpu.dma_semaphore, #tpu.memory_space<semaphore_mem>>)
        %dma_wait3A = arith.constant 0 : i32
        %dma_wait3A_37 = arith.constant 0 : i32
        %dma_wait3A_38 = tpu.memref_slice %arg7[%dma_wait3A, %dma_wait3A_37] : memref<79x128xi32, #tpu.memory_space<vmem>> -> memref<51x128xi32, #tpu.memory_space<vmem>>
        %dma_wait3A_39 = arith.constant 0 : i32
        %dma_wait3A_40 = tpu.memref_slice %arg2[%run_scoped3A, %mul3A_4, %dma_wait3A_39] : memref<2x2500x128xi32, #tpu.memory_space<hbm>> -> memref<1x51x128xi32, #tpu.memory_space<hbm>>
        %dma_wait3A_41 = tpu.memref_squeeze %dma_wait3A_40 : memref<1x51x128xi32, #tpu.memory_space<hbm>> -> memref<51x128xi32, #tpu.memory_space<hbm>>
        %dma_wait3A_42 = arith.constant 0 : i32
        %dma_wait3A_43 = arith.constant 0 : i32
        %dma_wait3A_44 = tpu.memref_slice %arg7[%dma_wait3A_42, %dma_wait3A_43] : memref<79x128xi32, #tpu.memory_space<vmem>> -> memref<51x128xi32, #tpu.memory_space<vmem>>
        %dma_wait3A_45 = arith.constant 0 : i32
        %dma_wait3A_46 = tpu.memref_slice %arg2[%run_scoped3A, %mul3A_4, %dma_wait3A_45] : memref<2x2500x128xi32, #tpu.memory_space<hbm>> -> memref<1x51x128xi32, #tpu.memory_space<hbm>>
        %dma_wait3A_47 = tpu.memref_squeeze %dma_wait3A_46 : memref<1x51x128xi32, #tpu.memory_space<hbm>> -> memref<51x128xi32, #tpu.memory_space<hbm>>
        tpu.wait_dma2 semaphore(%run_scoped3A_25 : memref<!tpu.dma_semaphore, #tpu.memory_space<semaphore_mem>>) src(%dma_wait3A_47 : memref<51x128xi32, #tpu.memory_space<hbm>>) dst(%dma_wait3A_44 : memref<51x128xi32, #tpu.memory_space<vmem>>)
        tpu.yield
      }) : () -> ()
    } else {
    }
    "tpu.region"() ({
      %run_scoped3A = tpu.sem_alloc : memref<!tpu.dma_semaphore, #tpu.memory_space<semaphore_mem>>
      tpu.enqueue_dma source(%arg3 : memref<128x16xf32, #tpu.memory_space<hbm>>) target(%arg8 : memref<128x16xf32, #tpu.memory_space<vmem>>) target_semaphore(%run_scoped3A : memref<!tpu.dma_semaphore, #tpu.memory_space<semaphore_mem>>)
      tpu.wait_dma2 semaphore(%run_scoped3A : memref<!tpu.dma_semaphore, #tpu.memory_space<semaphore_mem>>) src(%arg3 : memref<128x16xf32, #tpu.memory_space<hbm>>) dst(%arg8 : memref<128x16xf32, #tpu.memory_space<vmem>>)
      tpu.yield
    }) : () -> ()
    %mul3A_12 = arith.constant 632 : i32
    %mul3A_13 = arith.muli %arg1, %mul3A_12 : i32
    %mul3A_14 = arith.constant 632 : i32
    %mul3A_15 = arith.muli %arg1, %mul3A_14 : i32
    "tpu.region"() ({
      %run_scoped3A = tpu.sem_alloc : memref<!tpu.dma_semaphore, #tpu.memory_space<semaphore_mem>>
      %dma_start3A = arith.constant 0 : i32
      %dma_start3A_25 = tpu.memref_slice %arg6[%mul3A_15, %dma_start3A] : memref<10112x16xf32, #tpu.memory_space<vmem_shared>> -> memref<632x16xf32, #tpu.memory_space<vmem_shared>>
      %dma_start3A_26 = arith.constant 0 : i32
      %dma_start3A_27 = tpu.memref_slice %arg4[%mul3A_13, %dma_start3A_26] : memref<10112x16xf32, #tpu.memory_space<hbm>> -> memref<632x16xf32, #tpu.memory_space<hbm>>
      tpu.enqueue_dma source(%dma_start3A_27 : memref<632x16xf32, #tpu.memory_space<hbm>>) target(%dma_start3A_25 : memref<632x16xf32, #tpu.memory_space<vmem_shared>>) target_semaphore(%run_scoped3A : memref<!tpu.dma_semaphore, #tpu.memory_space<semaphore_mem>>)
      %dma_wait3A = arith.constant 0 : i32
      %dma_wait3A_28 = tpu.memref_slice %arg6[%mul3A_15, %dma_wait3A] : memref<10112x16xf32, #tpu.memory_space<vmem_shared>> -> memref<632x16xf32, #tpu.memory_space<vmem_shared>>
      %dma_wait3A_29 = arith.constant 0 : i32
      %dma_wait3A_30 = tpu.memref_slice %arg4[%mul3A_13, %dma_wait3A_29] : memref<10112x16xf32, #tpu.memory_space<hbm>> -> memref<632x16xf32, #tpu.memory_space<hbm>>
      tpu.wait_dma2 semaphore(%run_scoped3A : memref<!tpu.dma_semaphore, #tpu.memory_space<semaphore_mem>>) src(%dma_wait3A_30 : memref<632x16xf32, #tpu.memory_space<hbm>>) dst(%dma_wait3A_28 : memref<632x16xf32, #tpu.memory_space<vmem_shared>>)
      tpu.yield
    }) : () -> ()
    %barrier3A = arith.constant 0 : index
    tpu.barrier barrier_id(%barrier3A)
    %scan3A = arith.constant 0 : i32
    %scan3A_16 = arith.constant 79 : i32
    %scan3A_17 = arith.addi %scan3A, %scan3A_16 : i32
    %scan3A_18 = arith.constant 1 : i32
    scf.for %scan3A_25 = %scan3A to %scan3A_17 step %scan3A_18  : i32 {
      %mul3A_26 = arith.constant 1 : i32
      %mul3A_27 = arith.muli %scan3A_25, %mul3A_26 : i32
      %add3A_28 = arith.constant 0 : i32
      %add3A_29 = arith.addi %add3A_28, %mul3A_27 : i32
      %lt3A_30 = arith.cmpi slt, %add3A_29, %select_n3A : i32
      %convert_element_type3A_31 = arith.extui %lt3A_30 : i1 to i32
      %cond3A_32 = arith.constant 0 : i32
      %cond3A_33 = arith.cmpi ne, %convert_element_type3A_31, %cond3A_32 : i32
      scf.if %cond3A_33 {
        "tpu.region"() ({
          %run_scoped3A = tpu.sem_alloc : memref<!tpu.dma_semaphore, #tpu.memory_space<semaphore_mem>>
          %dma_start3A = arith.constant 0 : i32
          %dma_start3A_34 = tpu.memref_slice %arg7[%add3A_29, %dma_start3A] : memref<79x128xi32, #tpu.memory_space<vmem>> -> memref<1x128xi32, #tpu.memory_space<vmem>>
          %dma_start3A_35 = tpu.memref_squeeze %dma_start3A_34 : memref<1x128xi32, #tpu.memory_space<vmem>> -> memref<128xi32, #tpu.memory_space<vmem>>
          %dma_start3A_36 = arith.constant 0 : i32
          %dma_start3A_37 = arith.constant 0 : i32
          %dma_start3A_38 = tpu.memref_slice %arg6[%dma_start3A_36, %dma_start3A_37] : memref<10112x16xf32, #tpu.memory_space<vmem_shared>> -> memref<10112x16xf32, #tpu.memory_space<vmem_shared>>
          tpu.enqueue_indirect_dma source(%arg8 : memref<128x16xf32, #tpu.memory_space<vmem>>) target(%dma_start3A_38 : memref<10112x16xf32, #tpu.memory_space<vmem_shared>>) offsets(%dma_start3A_35 : memref<128xi32, #tpu.memory_space<vmem>>) semaphore(%run_scoped3A : memref<!tpu.dma_semaphore, #tpu.memory_space<semaphore_mem>>) {add = true}
          %dma_wait3A = arith.constant 0 : i32
          %dma_wait3A_39 = tpu.memref_slice %arg7[%add3A_29, %dma_wait3A] : memref<79x128xi32, #tpu.memory_space<vmem>> -> memref<1x128xi32, #tpu.memory_space<vmem>>
          %dma_wait3A_40 = tpu.memref_squeeze %dma_wait3A_39 : memref<1x128xi32, #tpu.memory_space<vmem>> -> memref<128xi32, #tpu.memory_space<vmem>>
          %dma_wait3A_41 = arith.constant 0 : i32
          %dma_wait3A_42 = arith.constant 0 : i32
          %dma_wait3A_43 = tpu.memref_slice %arg6[%dma_wait3A_41, %dma_wait3A_42] : memref<10112x16xf32, #tpu.memory_space<vmem_shared>> -> memref<10112x16xf32, #tpu.memory_space<vmem_shared>>
          tpu.wait_indirect_dma semaphore(%run_scoped3A : memref<!tpu.dma_semaphore, #tpu.memory_space<semaphore_mem>>) src(%arg8 : memref<128x16xf32, #tpu.memory_space<vmem>>) dst(%dma_wait3A_43 : memref<10112x16xf32, #tpu.memory_space<vmem_shared>>)
          tpu.yield
        }) : () -> ()
      } else {
      }
    }
    %scan3A_19 = arith.constant 79 : i32
    %barrier3A_20 = arith.constant 0 : index
    tpu.barrier barrier_id(%barrier3A_20)
    %mul3A_21 = arith.constant 632 : i32
    %mul3A_22 = arith.muli %arg1, %mul3A_21 : i32
    %mul3A_23 = arith.constant 632 : i32
    %mul3A_24 = arith.muli %arg1, %mul3A_23 : i32
    "tpu.region"() ({
      %run_scoped3A = tpu.sem_alloc : memref<!tpu.dma_semaphore, #tpu.memory_space<semaphore_mem>>
      %dma_start3A = arith.constant 0 : i32
      %dma_start3A_25 = tpu.memref_slice %arg5[%arg0, %mul3A_24, %dma_start3A] : memref<2x10112x16xf32, #tpu.memory_space<hbm>> -> memref<1x632x16xf32, #tpu.memory_space<hbm>>
      %dma_start3A_26 = tpu.memref_squeeze %dma_start3A_25 : memref<1x632x16xf32, #tpu.memory_space<hbm>> -> memref<632x16xf32, #tpu.memory_space<hbm>>
      %dma_start3A_27 = arith.constant 0 : i32
      %dma_start3A_28 = tpu.memref_slice %arg6[%mul3A_22, %dma_start3A_27] : memref<10112x16xf32, #tpu.memory_space<vmem_shared>> -> memref<632x16xf32, #tpu.memory_space<vmem_shared>>
      tpu.enqueue_dma source(%dma_start3A_28 : memref<632x16xf32, #tpu.memory_space<vmem_shared>>) target(%dma_start3A_26 : memref<632x16xf32, #tpu.memory_space<hbm>>) target_semaphore(%run_scoped3A : memref<!tpu.dma_semaphore, #tpu.memory_space<semaphore_mem>>)
      %dma_wait3A = arith.constant 0 : i32
      %dma_wait3A_29 = tpu.memref_slice %arg5[%arg0, %mul3A_24, %dma_wait3A] : memref<2x10112x16xf32, #tpu.memory_space<hbm>> -> memref<1x632x16xf32, #tpu.memory_space<hbm>>
      %dma_wait3A_30 = tpu.memref_squeeze %dma_wait3A_29 : memref<1x632x16xf32, #tpu.memory_space<hbm>> -> memref<632x16xf32, #tpu.memory_space<hbm>>
      %dma_wait3A_31 = arith.constant 0 : i32
      %dma_wait3A_32 = tpu.memref_slice %arg6[%mul3A_22, %dma_wait3A_31] : memref<10112x16xf32, #tpu.memory_space<vmem_shared>> -> memref<632x16xf32, #tpu.memory_space<vmem_shared>>
      tpu.wait_dma2 semaphore(%run_scoped3A : memref<!tpu.dma_semaphore, #tpu.memory_space<semaphore_mem>>) src(%dma_wait3A_32 : memref<632x16xf32, #tpu.memory_space<vmem_shared>>) dst(%dma_wait3A_30 : memref<632x16xf32, #tpu.memory_space<hbm>>)
      tpu.yield
    }) : () -> ()
    return
  }
}

#map = affine_map<(d0, d1) -> (0, 0)>
#map1 = affine_map<(d0, d1) -> (0, 0, 0)>
module attributes {stable_mosaic.version = 14 : i64} {
  func.func @_sc_gs1(%arg0: i32, %arg1: i32, %arg2: memref<10112x16xf32, #tpu.memory_space<hbm>>, %arg3: memref<2x10112x16xf32, #tpu.memory_space<hbm>>, %arg4: memref<2x2500x128xi32, #tpu.memory_space<hbm>>, %arg5: memref<10112x16xf32, #tpu.memory_space<hbm>>, %arg6: memref<2x10112x16xf32, #tpu.memory_space<hbm>>, %arg7: memref<10112x16xf32, #tpu.memory_space<hbm>>, %arg8: memref<10112x16xf32, #tpu.memory_space<hbm>>, %arg9: memref<10112x16xf32, #tpu.memory_space<vmem_shared>>, %arg10: memref<10112x16xf32, #tpu.memory_space<vmem_shared>>, %arg11: memref<79x128xi32, #tpu.memory_space<vmem>>, %arg12: memref<79x128xi32, #tpu.memory_space<vmem>>, %arg13: memref<128x16xf32, #tpu.memory_space<vmem>>, %arg14: memref<632x16xf32, #tpu.memory_space<vmem>>, %arg15: memref<632x16xf32, #tpu.memory_space<vmem>>, %arg16: memref<632x16xf32, #tpu.memory_space<vmem>>) attributes {dimension_semantics = [#tpu.dimension_semantics<core_parallel>, #tpu.dimension_semantics<subcore_parallel>], iteration_bounds = array<i64: 2, 16>, scalar_prefetch = 0 : i64, scratch_operands = 8 : i64, tpu.core_type = #tpu.core_type<sc_vector_subcore>, window_params = [{transform_indices = #map}, {transform_indices = #map1}, {transform_indices = #map1}, {transform_indices = #map}, {transform_indices = #map1}, {transform_indices = #map}, {transform_indices = #map}]} {
    %mul3A = arith.constant 2 : i32
    %mul3A_0 = arith.muli %arg1, %mul3A : i32
    %add3A = arith.addi %mul3A_0, %arg0 : i32
    %eq3A = arith.constant 31 : i32
    %eq3A_1 = arith.cmpi eq, %add3A, %eq3A : i32
    %jit3A = arith.constant 51 : i32
    %jit3A_2 = arith.constant 79 : i32
    %select_n3A = arith.select %eq3A_1, %jit3A, %jit3A_2 : i32
    %mul3A_3 = arith.constant 632 : i32
    %mul3A_4 = arith.muli %arg1, %mul3A_3 : i32
    %mul3A_5 = arith.constant 79 : i32
    %mul3A_6 = arith.muli %add3A, %mul3A_5 : i32
    %lt3A = arith.constant 31 : i32
    %lt3A_7 = arith.cmpi slt, %add3A, %lt3A : i32
    %convert_element_type3A = arith.extui %lt3A_7 : i1 to i32
    %cond3A = arith.constant 0 : i32
    %cond3A_8 = arith.cmpi ne, %convert_element_type3A, %cond3A : i32
    scf.if %cond3A_8 {
      %run_scoped3A_42 = arith.constant 0 : i32
      "tpu.region"() ({
        %run_scoped3A_43 = tpu.sem_alloc : memref<!tpu.dma_semaphore, #tpu.memory_space<semaphore_mem>>
        %dma_start3A = arith.constant 0 : i32
        %dma_start3A_44 = tpu.memref_slice %arg4[%run_scoped3A_42, %mul3A_6, %dma_start3A] : memref<2x2500x128xi32, #tpu.memory_space<hbm>> -> memref<1x79x128xi32, #tpu.memory_space<hbm>>
        %dma_start3A_45 = tpu.memref_squeeze %dma_start3A_44 : memref<1x79x128xi32, #tpu.memory_space<hbm>> -> memref<79x128xi32, #tpu.memory_space<hbm>>
        %dma_start3A_46 = arith.constant 0 : i32
        %dma_start3A_47 = tpu.memref_slice %arg4[%run_scoped3A_42, %mul3A_6, %dma_start3A_46] : memref<2x2500x128xi32, #tpu.memory_space<hbm>> -> memref<1x79x128xi32, #tpu.memory_space<hbm>>
        %dma_start3A_48 = tpu.memref_squeeze %dma_start3A_47 : memref<1x79x128xi32, #tpu.memory_space<hbm>> -> memref<79x128xi32, #tpu.memory_space<hbm>>
        tpu.enqueue_dma source(%dma_start3A_48 : memref<79x128xi32, #tpu.memory_space<hbm>>) target(%arg11 : memref<79x128xi32, #tpu.memory_space<vmem>>) target_semaphore(%run_scoped3A_43 : memref<!tpu.dma_semaphore, #tpu.memory_space<semaphore_mem>>)
        %dma_wait3A = arith.constant 0 : i32
        %dma_wait3A_49 = tpu.memref_slice %arg4[%run_scoped3A_42, %mul3A_6, %dma_wait3A] : memref<2x2500x128xi32, #tpu.memory_space<hbm>> -> memref<1x79x128xi32, #tpu.memory_space<hbm>>
        %dma_wait3A_50 = tpu.memref_squeeze %dma_wait3A_49 : memref<1x79x128xi32, #tpu.memory_space<hbm>> -> memref<79x128xi32, #tpu.memory_space<hbm>>
        %dma_wait3A_51 = arith.constant 0 : i32
        %dma_wait3A_52 = tpu.memref_slice %arg4[%run_scoped3A_42, %mul3A_6, %dma_wait3A_51] : memref<2x2500x128xi32, #tpu.memory_space<hbm>> -> memref<1x79x128xi32, #tpu.memory_space<hbm>>
        %dma_wait3A_53 = tpu.memref_squeeze %dma_wait3A_52 : memref<1x79x128xi32, #tpu.memory_space<hbm>> -> memref<79x128xi32, #tpu.memory_space<hbm>>
        tpu.wait_dma2 semaphore(%run_scoped3A_43 : memref<!tpu.dma_semaphore, #tpu.memory_space<semaphore_mem>>) src(%dma_wait3A_53 : memref<79x128xi32, #tpu.memory_space<hbm>>) dst(%arg11 : memref<79x128xi32, #tpu.memory_space<vmem>>)
        tpu.yield
      }) : () -> ()
    } else {
    }
    %eq3A_9 = arith.constant 31 : i32
    %eq3A_10 = arith.cmpi eq, %add3A, %eq3A_9 : i32
    %convert_element_type3A_11 = arith.extui %eq3A_10 : i1 to i32
    %cond3A_12 = arith.constant 0 : i32
    %cond3A_13 = arith.cmpi ne, %convert_element_type3A_11, %cond3A_12 : i32
    scf.if %cond3A_13 {
      %run_scoped3A_42 = arith.constant 0 : i32
      "tpu.region"() ({
        %run_scoped3A_43 = tpu.sem_alloc : memref<!tpu.dma_semaphore, #tpu.memory_space<semaphore_mem>>
        %dma_start3A = arith.constant 0 : i32
        %dma_start3A_44 = arith.constant 0 : i32
        %dma_start3A_45 = tpu.memref_slice %arg11[%dma_start3A, %dma_start3A_44] : memref<79x128xi32, #tpu.memory_space<vmem>> -> memref<51x128xi32, #tpu.memory_space<vmem>>
        %dma_start3A_46 = arith.constant 0 : i32
        %dma_start3A_47 = tpu.memref_slice %arg4[%run_scoped3A_42, %mul3A_6, %dma_start3A_46] : memref<2x2500x128xi32, #tpu.memory_space<hbm>> -> memref<1x51x128xi32, #tpu.memory_space<hbm>>
        %dma_start3A_48 = tpu.memref_squeeze %dma_start3A_47 : memref<1x51x128xi32, #tpu.memory_space<hbm>> -> memref<51x128xi32, #tpu.memory_space<hbm>>
        %dma_start3A_49 = arith.constant 0 : i32
        %dma_start3A_50 = arith.constant 0 : i32
        %dma_start3A_51 = tpu.memref_slice %arg11[%dma_start3A_49, %dma_start3A_50] : memref<79x128xi32, #tpu.memory_space<vmem>> -> memref<51x128xi32, #tpu.memory_space<vmem>>
        %dma_start3A_52 = arith.constant 0 : i32
        %dma_start3A_53 = tpu.memref_slice %arg4[%run_scoped3A_42, %mul3A_6, %dma_start3A_52] : memref<2x2500x128xi32, #tpu.memory_space<hbm>> -> memref<1x51x128xi32, #tpu.memory_space<hbm>>
        %dma_start3A_54 = tpu.memref_squeeze %dma_start3A_53 : memref<1x51x128xi32, #tpu.memory_space<hbm>> -> memref<51x128xi32, #tpu.memory_space<hbm>>
        tpu.enqueue_dma source(%dma_start3A_54 : memref<51x128xi32, #tpu.memory_space<hbm>>) target(%dma_start3A_51 : memref<51x128xi32, #tpu.memory_space<vmem>>) target_semaphore(%run_scoped3A_43 : memref<!tpu.dma_semaphore, #tpu.memory_space<semaphore_mem>>)
        %dma_wait3A = arith.constant 0 : i32
        %dma_wait3A_55 = arith.constant 0 : i32
        %dma_wait3A_56 = tpu.memref_slice %arg11[%dma_wait3A, %dma_wait3A_55] : memref<79x128xi32, #tpu.memory_space<vmem>> -> memref<51x128xi32, #tpu.memory_space<vmem>>
        %dma_wait3A_57 = arith.constant 0 : i32
        %dma_wait3A_58 = tpu.memref_slice %arg4[%run_scoped3A_42, %mul3A_6, %dma_wait3A_57] : memref<2x2500x128xi32, #tpu.memory_space<hbm>> -> memref<1x51x128xi32, #tpu.memory_space<hbm>>
        %dma_wait3A_59 = tpu.memref_squeeze %dma_wait3A_58 : memref<1x51x128xi32, #tpu.memory_space<hbm>> -> memref<51x128xi32, #tpu.memory_space<hbm>>
        %dma_wait3A_60 = arith.constant 0 : i32
        %dma_wait3A_61 = arith.constant 0 : i32
        %dma_wait3A_62 = tpu.memref_slice %arg11[%dma_wait3A_60, %dma_wait3A_61] : memref<79x128xi32, #tpu.memory_space<vmem>> -> memref<51x128xi32, #tpu.memory_space<vmem>>
        %dma_wait3A_63 = arith.constant 0 : i32
        %dma_wait3A_64 = tpu.memref_slice %arg4[%run_scoped3A_42, %mul3A_6, %dma_wait3A_63] : memref<2x2500x128xi32, #tpu.memory_space<hbm>> -> memref<1x51x128xi32, #tpu.memory_space<hbm>>
        %dma_wait3A_65 = tpu.memref_squeeze %dma_wait3A_64 : memref<1x51x128xi32, #tpu.memory_space<hbm>> -> memref<51x128xi32, #tpu.memory_space<hbm>>
        tpu.wait_dma2 semaphore(%run_scoped3A_43 : memref<!tpu.dma_semaphore, #tpu.memory_space<semaphore_mem>>) src(%dma_wait3A_65 : memref<51x128xi32, #tpu.memory_space<hbm>>) dst(%dma_wait3A_62 : memref<51x128xi32, #tpu.memory_space<vmem>>)
        tpu.yield
      }) : () -> ()
    } else {
    }
    %mul3A_14 = arith.constant 79 : i32
    %mul3A_15 = arith.muli %add3A, %mul3A_14 : i32
    %lt3A_16 = arith.constant 31 : i32
    %lt3A_17 = arith.cmpi slt, %add3A, %lt3A_16 : i32
    %convert_element_type3A_18 = arith.extui %lt3A_17 : i1 to i32
    %cond3A_19 = arith.constant 0 : i32
    %cond3A_20 = arith.cmpi ne, %convert_element_type3A_18, %cond3A_19 : i32
    scf.if %cond3A_20 {
      %run_scoped3A_42 = arith.constant 1 : i32
      "tpu.region"() ({
        %run_scoped3A_43 = tpu.sem_alloc : memref<!tpu.dma_semaphore, #tpu.memory_space<semaphore_mem>>
        %dma_start3A = arith.constant 0 : i32
        %dma_start3A_44 = tpu.memref_slice %arg4[%run_scoped3A_42, %mul3A_15, %dma_start3A] : memref<2x2500x128xi32, #tpu.memory_space<hbm>> -> memref<1x79x128xi32, #tpu.memory_space<hbm>>
        %dma_start3A_45 = tpu.memref_squeeze %dma_start3A_44 : memref<1x79x128xi32, #tpu.memory_space<hbm>> -> memref<79x128xi32, #tpu.memory_space<hbm>>
        %dma_start3A_46 = arith.constant 0 : i32
        %dma_start3A_47 = tpu.memref_slice %arg4[%run_scoped3A_42, %mul3A_15, %dma_start3A_46] : memref<2x2500x128xi32, #tpu.memory_space<hbm>> -> memref<1x79x128xi32, #tpu.memory_space<hbm>>
        %dma_start3A_48 = tpu.memref_squeeze %dma_start3A_47 : memref<1x79x128xi32, #tpu.memory_space<hbm>> -> memref<79x128xi32, #tpu.memory_space<hbm>>
        tpu.enqueue_dma source(%dma_start3A_48 : memref<79x128xi32, #tpu.memory_space<hbm>>) target(%arg12 : memref<79x128xi32, #tpu.memory_space<vmem>>) target_semaphore(%run_scoped3A_43 : memref<!tpu.dma_semaphore, #tpu.memory_space<semaphore_mem>>)
        %dma_wait3A = arith.constant 0 : i32
        %dma_wait3A_49 = tpu.memref_slice %arg4[%run_scoped3A_42, %mul3A_15, %dma_wait3A] : memref<2x2500x128xi32, #tpu.memory_space<hbm>> -> memref<1x79x128xi32, #tpu.memory_space<hbm>>
        %dma_wait3A_50 = tpu.memref_squeeze %dma_wait3A_49 : memref<1x79x128xi32, #tpu.memory_space<hbm>> -> memref<79x128xi32, #tpu.memory_space<hbm>>
        %dma_wait3A_51 = arith.constant 0 : i32
        %dma_wait3A_52 = tpu.memref_slice %arg4[%run_scoped3A_42, %mul3A_15, %dma_wait3A_51] : memref<2x2500x128xi32, #tpu.memory_space<hbm>> -> memref<1x79x128xi32, #tpu.memory_space<hbm>>
        %dma_wait3A_53 = tpu.memref_squeeze %dma_wait3A_52 : memref<1x79x128xi32, #tpu.memory_space<hbm>> -> memref<79x128xi32, #tpu.memory_space<hbm>>
        tpu.wait_dma2 semaphore(%run_scoped3A_43 : memref<!tpu.dma_semaphore, #tpu.memory_space<semaphore_mem>>) src(%dma_wait3A_53 : memref<79x128xi32, #tpu.memory_space<hbm>>) dst(%arg12 : memref<79x128xi32, #tpu.memory_space<vmem>>)
        tpu.yield
      }) : () -> ()
    } else {
    }
    %eq3A_21 = arith.constant 31 : i32
    %eq3A_22 = arith.cmpi eq, %add3A, %eq3A_21 : i32
    %convert_element_type3A_23 = arith.extui %eq3A_22 : i1 to i32
    %cond3A_24 = arith.constant 0 : i32
    %cond3A_25 = arith.cmpi ne, %convert_element_type3A_23, %cond3A_24 : i32
    scf.if %cond3A_25 {
      %run_scoped3A_42 = arith.constant 1 : i32
      "tpu.region"() ({
        %run_scoped3A_43 = tpu.sem_alloc : memref<!tpu.dma_semaphore, #tpu.memory_space<semaphore_mem>>
        %dma_start3A = arith.constant 0 : i32
        %dma_start3A_44 = arith.constant 0 : i32
        %dma_start3A_45 = tpu.memref_slice %arg12[%dma_start3A, %dma_start3A_44] : memref<79x128xi32, #tpu.memory_space<vmem>> -> memref<51x128xi32, #tpu.memory_space<vmem>>
        %dma_start3A_46 = arith.constant 0 : i32
        %dma_start3A_47 = tpu.memref_slice %arg4[%run_scoped3A_42, %mul3A_15, %dma_start3A_46] : memref<2x2500x128xi32, #tpu.memory_space<hbm>> -> memref<1x51x128xi32, #tpu.memory_space<hbm>>
        %dma_start3A_48 = tpu.memref_squeeze %dma_start3A_47 : memref<1x51x128xi32, #tpu.memory_space<hbm>> -> memref<51x128xi32, #tpu.memory_space<hbm>>
        %dma_start3A_49 = arith.constant 0 : i32
        %dma_start3A_50 = arith.constant 0 : i32
        %dma_start3A_51 = tpu.memref_slice %arg12[%dma_start3A_49, %dma_start3A_50] : memref<79x128xi32, #tpu.memory_space<vmem>> -> memref<51x128xi32, #tpu.memory_space<vmem>>
        %dma_start3A_52 = arith.constant 0 : i32
        %dma_start3A_53 = tpu.memref_slice %arg4[%run_scoped3A_42, %mul3A_15, %dma_start3A_52] : memref<2x2500x128xi32, #tpu.memory_space<hbm>> -> memref<1x51x128xi32, #tpu.memory_space<hbm>>
        %dma_start3A_54 = tpu.memref_squeeze %dma_start3A_53 : memref<1x51x128xi32, #tpu.memory_space<hbm>> -> memref<51x128xi32, #tpu.memory_space<hbm>>
        tpu.enqueue_dma source(%dma_start3A_54 : memref<51x128xi32, #tpu.memory_space<hbm>>) target(%dma_start3A_51 : memref<51x128xi32, #tpu.memory_space<vmem>>) target_semaphore(%run_scoped3A_43 : memref<!tpu.dma_semaphore, #tpu.memory_space<semaphore_mem>>)
        %dma_wait3A = arith.constant 0 : i32
        %dma_wait3A_55 = arith.constant 0 : i32
        %dma_wait3A_56 = tpu.memref_slice %arg12[%dma_wait3A, %dma_wait3A_55] : memref<79x128xi32, #tpu.memory_space<vmem>> -> memref<51x128xi32, #tpu.memory_space<vmem>>
        %dma_wait3A_57 = arith.constant 0 : i32
        %dma_wait3A_58 = tpu.memref_slice %arg4[%run_scoped3A_42, %mul3A_15, %dma_wait3A_57] : memref<2x2500x128xi32, #tpu.memory_space<hbm>> -> memref<1x51x128xi32, #tpu.memory_space<hbm>>
        %dma_wait3A_59 = tpu.memref_squeeze %dma_wait3A_58 : memref<1x51x128xi32, #tpu.memory_space<hbm>> -> memref<51x128xi32, #tpu.memory_space<hbm>>
        %dma_wait3A_60 = arith.constant 0 : i32
        %dma_wait3A_61 = arith.constant 0 : i32
        %dma_wait3A_62 = tpu.memref_slice %arg12[%dma_wait3A_60, %dma_wait3A_61] : memref<79x128xi32, #tpu.memory_space<vmem>> -> memref<51x128xi32, #tpu.memory_space<vmem>>
        %dma_wait3A_63 = arith.constant 0 : i32
        %dma_wait3A_64 = tpu.memref_slice %arg4[%run_scoped3A_42, %mul3A_15, %dma_wait3A_63] : memref<2x2500x128xi32, #tpu.memory_space<hbm>> -> memref<1x51x128xi32, #tpu.memory_space<hbm>>
        %dma_wait3A_65 = tpu.memref_squeeze %dma_wait3A_64 : memref<1x51x128xi32, #tpu.memory_space<hbm>> -> memref<51x128xi32, #tpu.memory_space<hbm>>
        tpu.wait_dma2 semaphore(%run_scoped3A_43 : memref<!tpu.dma_semaphore, #tpu.memory_space<semaphore_mem>>) src(%dma_wait3A_65 : memref<51x128xi32, #tpu.memory_space<hbm>>) dst(%dma_wait3A_62 : memref<51x128xi32, #tpu.memory_space<vmem>>)
        tpu.yield
      }) : () -> ()
    } else {
    }
    "tpu.region"() ({
      %run_scoped3A_42 = tpu.sem_alloc : memref<!tpu.dma_semaphore, #tpu.memory_space<semaphore_mem>>
      %dma_start3A = arith.constant 0 : i32
      %dma_start3A_43 = tpu.memref_slice %arg9[%mul3A_4, %dma_start3A] : memref<10112x16xf32, #tpu.memory_space<vmem_shared>> -> memref<632x16xf32, #tpu.memory_space<vmem_shared>>
      %dma_start3A_44 = arith.constant 0 : i32
      %dma_start3A_45 = tpu.memref_slice %arg5[%mul3A_4, %dma_start3A_44] : memref<10112x16xf32, #tpu.memory_space<hbm>> -> memref<632x16xf32, #tpu.memory_space<hbm>>
      tpu.enqueue_dma source(%dma_start3A_45 : memref<632x16xf32, #tpu.memory_space<hbm>>) target(%dma_start3A_43 : memref<632x16xf32, #tpu.memory_space<vmem_shared>>) target_semaphore(%run_scoped3A_42 : memref<!tpu.dma_semaphore, #tpu.memory_space<semaphore_mem>>)
      %dma_wait3A = arith.constant 0 : i32
      %dma_wait3A_46 = tpu.memref_slice %arg9[%mul3A_4, %dma_wait3A] : memref<10112x16xf32, #tpu.memory_space<vmem_shared>> -> memref<632x16xf32, #tpu.memory_space<vmem_shared>>
      %dma_wait3A_47 = arith.constant 0 : i32
      %dma_wait3A_48 = tpu.memref_slice %arg5[%mul3A_4, %dma_wait3A_47] : memref<10112x16xf32, #tpu.memory_space<hbm>> -> memref<632x16xf32, #tpu.memory_space<hbm>>
      tpu.wait_dma2 semaphore(%run_scoped3A_42 : memref<!tpu.dma_semaphore, #tpu.memory_space<semaphore_mem>>) src(%dma_wait3A_48 : memref<632x16xf32, #tpu.memory_space<hbm>>) dst(%dma_wait3A_46 : memref<632x16xf32, #tpu.memory_space<vmem_shared>>)
      tpu.yield
    }) : () -> ()
    "tpu.region"() ({
      %run_scoped3A_42 = tpu.sem_alloc : memref<!tpu.dma_semaphore, #tpu.memory_space<semaphore_mem>>
      %dma_start3A = arith.constant 0 : i32
      %dma_start3A_43 = tpu.memref_slice %arg2[%mul3A_4, %dma_start3A] : memref<10112x16xf32, #tpu.memory_space<hbm>> -> memref<632x16xf32, #tpu.memory_space<hbm>>
      %dma_start3A_44 = arith.constant 0 : i32
      %dma_start3A_45 = tpu.memref_slice %arg2[%mul3A_4, %dma_start3A_44] : memref<10112x16xf32, #tpu.memory_space<hbm>> -> memref<632x16xf32, #tpu.memory_space<hbm>>
      tpu.enqueue_dma source(%dma_start3A_45 : memref<632x16xf32, #tpu.memory_space<hbm>>) target(%arg14 : memref<632x16xf32, #tpu.memory_space<vmem>>) target_semaphore(%run_scoped3A_42 : memref<!tpu.dma_semaphore, #tpu.memory_space<semaphore_mem>>)
      %dma_wait3A = arith.constant 0 : i32
      %dma_wait3A_46 = tpu.memref_slice %arg2[%mul3A_4, %dma_wait3A] : memref<10112x16xf32, #tpu.memory_space<hbm>> -> memref<632x16xf32, #tpu.memory_space<hbm>>
      %dma_wait3A_47 = arith.constant 0 : i32
      %dma_wait3A_48 = tpu.memref_slice %arg2[%mul3A_4, %dma_wait3A_47] : memref<10112x16xf32, #tpu.memory_space<hbm>> -> memref<632x16xf32, #tpu.memory_space<hbm>>
      tpu.wait_dma2 semaphore(%run_scoped3A_42 : memref<!tpu.dma_semaphore, #tpu.memory_space<semaphore_mem>>) src(%dma_wait3A_48 : memref<632x16xf32, #tpu.memory_space<hbm>>) dst(%arg14 : memref<632x16xf32, #tpu.memory_space<vmem>>)
      tpu.yield
    }) : () -> ()
    %run_scoped3A = arith.constant 0 : i32
    "tpu.region"() ({
      %run_scoped3A_42 = tpu.sem_alloc : memref<!tpu.dma_semaphore, #tpu.memory_space<semaphore_mem>>
      %dma_start3A = arith.constant 0 : i32
      %dma_start3A_43 = tpu.memref_slice %arg3[%run_scoped3A, %mul3A_4, %dma_start3A] : memref<2x10112x16xf32, #tpu.memory_space<hbm>> -> memref<1x632x16xf32, #tpu.memory_space<hbm>>
      %dma_start3A_44 = tpu.memref_squeeze %dma_start3A_43 : memref<1x632x16xf32, #tpu.memory_space<hbm>> -> memref<632x16xf32, #tpu.memory_space<hbm>>
      %dma_start3A_45 = arith.constant 0 : i32
      %dma_start3A_46 = tpu.memref_slice %arg3[%run_scoped3A, %mul3A_4, %dma_start3A_45] : memref<2x10112x16xf32, #tpu.memory_space<hbm>> -> memref<1x632x16xf32, #tpu.memory_space<hbm>>
      %dma_start3A_47 = tpu.memref_squeeze %dma_start3A_46 : memref<1x632x16xf32, #tpu.memory_space<hbm>> -> memref<632x16xf32, #tpu.memory_space<hbm>>
      tpu.enqueue_dma source(%dma_start3A_47 : memref<632x16xf32, #tpu.memory_space<hbm>>) target(%arg15 : memref<632x16xf32, #tpu.memory_space<vmem>>) target_semaphore(%run_scoped3A_42 : memref<!tpu.dma_semaphore, #tpu.memory_space<semaphore_mem>>)
      %dma_wait3A = arith.constant 0 : i32
      %dma_wait3A_48 = tpu.memref_slice %arg3[%run_scoped3A, %mul3A_4, %dma_wait3A] : memref<2x10112x16xf32, #tpu.memory_space<hbm>> -> memref<1x632x16xf32, #tpu.memory_space<hbm>>
      %dma_wait3A_49 = tpu.memref_squeeze %dma_wait3A_48 : memref<1x632x16xf32, #tpu.memory_space<hbm>> -> memref<632x16xf32, #tpu.memory_space<hbm>>
      %dma_wait3A_50 = arith.constant 0 : i32
      %dma_wait3A_51 = tpu.memref_slice %arg3[%run_scoped3A, %mul3A_4, %dma_wait3A_50] : memref<2x10112x16xf32, #tpu.memory_space<hbm>> -> memref<1x632x16xf32, #tpu.memory_space<hbm>>
      %dma_wait3A_52 = tpu.memref_squeeze %dma_wait3A_51 : memref<1x632x16xf32, #tpu.memory_space<hbm>> -> memref<632x16xf32, #tpu.memory_space<hbm>>
      tpu.wait_dma2 semaphore(%run_scoped3A_42 : memref<!tpu.dma_semaphore, #tpu.memory_space<semaphore_mem>>) src(%dma_wait3A_52 : memref<632x16xf32, #tpu.memory_space<hbm>>) dst(%arg15 : memref<632x16xf32, #tpu.memory_space<vmem>>)
      tpu.yield
    }) : () -> ()
    %run_scoped3A_26 = arith.constant 1 : i32
    "tpu.region"() ({
      %run_scoped3A_42 = tpu.sem_alloc : memref<!tpu.dma_semaphore, #tpu.memory_space<semaphore_mem>>
      %dma_start3A = arith.constant 0 : i32
      %dma_start3A_43 = tpu.memref_slice %arg3[%run_scoped3A_26, %mul3A_4, %dma_start3A] : memref<2x10112x16xf32, #tpu.memory_space<hbm>> -> memref<1x632x16xf32, #tpu.memory_space<hbm>>
      %dma_start3A_44 = tpu.memref_squeeze %dma_start3A_43 : memref<1x632x16xf32, #tpu.memory_space<hbm>> -> memref<632x16xf32, #tpu.memory_space<hbm>>
      %dma_start3A_45 = arith.constant 0 : i32
      %dma_start3A_46 = tpu.memref_slice %arg3[%run_scoped3A_26, %mul3A_4, %dma_start3A_45] : memref<2x10112x16xf32, #tpu.memory_space<hbm>> -> memref<1x632x16xf32, #tpu.memory_space<hbm>>
      %dma_start3A_47 = tpu.memref_squeeze %dma_start3A_46 : memref<1x632x16xf32, #tpu.memory_space<hbm>> -> memref<632x16xf32, #tpu.memory_space<hbm>>
      tpu.enqueue_dma source(%dma_start3A_47 : memref<632x16xf32, #tpu.memory_space<hbm>>) target(%arg16 : memref<632x16xf32, #tpu.memory_space<vmem>>) target_semaphore(%run_scoped3A_42 : memref<!tpu.dma_semaphore, #tpu.memory_space<semaphore_mem>>)
      %dma_wait3A = arith.constant 0 : i32
      %dma_wait3A_48 = tpu.memref_slice %arg3[%run_scoped3A_26, %mul3A_4, %dma_wait3A] : memref<2x10112x16xf32, #tpu.memory_space<hbm>> -> memref<1x632x16xf32, #tpu.memory_space<hbm>>
      %dma_wait3A_49 = tpu.memref_squeeze %dma_wait3A_48 : memref<1x632x16xf32, #tpu.memory_space<hbm>> -> memref<632x16xf32, #tpu.memory_space<hbm>>
      %dma_wait3A_50 = arith.constant 0 : i32
      %dma_wait3A_51 = tpu.memref_slice %arg3[%run_scoped3A_26, %mul3A_4, %dma_wait3A_50] : memref<2x10112x16xf32, #tpu.memory_space<hbm>> -> memref<1x632x16xf32, #tpu.memory_space<hbm>>
      %dma_wait3A_52 = tpu.memref_squeeze %dma_wait3A_51 : memref<1x632x16xf32, #tpu.memory_space<hbm>> -> memref<632x16xf32, #tpu.memory_space<hbm>>
      tpu.wait_dma2 semaphore(%run_scoped3A_42 : memref<!tpu.dma_semaphore, #tpu.memory_space<semaphore_mem>>) src(%dma_wait3A_52 : memref<632x16xf32, #tpu.memory_space<hbm>>) dst(%arg16 : memref<632x16xf32, #tpu.memory_space<vmem>>)
      tpu.yield
    }) : () -> ()
    %scan3A = arith.constant 0 : i32
    %scan3A_27 = arith.constant 632 : i32
    %scan3A_28 = arith.addi %scan3A, %scan3A_27 : i32
    %scan3A_29 = arith.constant 1 : i32
    scf.for %scan3A_42 = %scan3A to %scan3A_28 step %scan3A_29  : i32 {
      %mul3A_43 = arith.constant 1 : i32
      %mul3A_44 = arith.muli %scan3A_42, %mul3A_43 : i32
      %add3A_45 = arith.constant 0 : i32
      %add3A_46 = arith.addi %add3A_45, %mul3A_44 : i32
      %get3A = arith.index_cast %add3A_46 : i32 to index
      %get3A_47 = arith.constant 0 : index
      %get3A_48 = tpu.vector_load %arg15[%get3A, %get3A_47] {strides = array<i32>} : memref<632x16xf32, #tpu.memory_space<vmem>>, vector<16xf32>,
      %get3A_49 = arith.index_cast %add3A_46 : i32 to index
      %get3A_50 = arith.constant 0 : index
      %get3A_51 = tpu.vector_load %arg16[%get3A_49, %get3A_50] {strides = array<i32>} : memref<632x16xf32, #tpu.memory_space<vmem>>, vector<16xf32>,
      %add3A_52 = arith.addf %get3A_48, %get3A_51 : vector<16xf32>
      %add3A_53 = arith.constant 1.000000e+00 : f32
      %add3A_54 = vector.broadcast %add3A_53 : f32 to vector<16xf32>
      %add3A_55 = arith.addf %add3A_52, %add3A_54 : vector<16xf32>
      %bitcast_convert_type3A = tpu.bitcast %add3A_55 : vector<16xf32> -> vector<16xi32>
      %shift_right_arithmetic3A = arith.constant 1 : i32
      %shift_right_arithmetic3A_56 = vector.broadcast %shift_right_arithmetic3A : i32 to vector<16xi32>
      %shift_right_arithmetic3A_57 = arith.shrsi %bitcast_convert_type3A, %shift_right_arithmetic3A_56 : vector<16xi32>
      %sub3A = arith.constant 1597463007 : i32
      %sub3A_58 = vector.broadcast %sub3A : i32 to vector<16xi32>
      %sub3A_59 = arith.subi %sub3A_58, %shift_right_arithmetic3A_57 : vector<16xi32>
      %bitcast_convert_type3A_60 = tpu.bitcast %sub3A_59 : vector<16xi32> -> vector<16xf32>
      %mul3A_61 = arith.constant 5.000000e-01 : f32
      %mul3A_62 = vector.broadcast %mul3A_61 : f32 to vector<16xf32>
      %mul3A_63 = arith.mulf %mul3A_62, %add3A_55 : vector<16xf32>
      %mul3A_64 = arith.mulf %mul3A_63, %bitcast_convert_type3A_60 : vector<16xf32>
      %mul3A_65 = arith.mulf %mul3A_64, %bitcast_convert_type3A_60 : vector<16xf32>
      %sub3A_66 = arith.constant 1.500000e+00 : f32
      %sub3A_67 = vector.broadcast %sub3A_66 : f32 to vector<16xf32>
      %sub3A_68 = arith.subf %sub3A_67, %mul3A_65 : vector<16xf32>
      %mul3A_69 = arith.mulf %bitcast_convert_type3A_60, %sub3A_68 : vector<16xf32>
      %mul3A_70 = arith.mulf %mul3A_63, %mul3A_69 : vector<16xf32>
      %mul3A_71 = arith.mulf %mul3A_70, %mul3A_69 : vector<16xf32>
      %sub3A_72 = arith.constant 1.500000e+00 : f32
      %sub3A_73 = vector.broadcast %sub3A_72 : f32 to vector<16xf32>
      %sub3A_74 = arith.subf %sub3A_73, %mul3A_71 : vector<16xf32>
      %mul3A_75 = arith.mulf %mul3A_69, %sub3A_74 : vector<16xf32>
      %mul3A_76 = arith.mulf %mul3A_63, %mul3A_75 : vector<16xf32>
      %mul3A_77 = arith.mulf %mul3A_76, %mul3A_75 : vector<16xf32>
      %sub3A_78 = arith.constant 1.500000e+00 : f32
      %sub3A_79 = vector.broadcast %sub3A_78 : f32 to vector<16xf32>
      %sub3A_80 = arith.subf %sub3A_79, %mul3A_77 : vector<16xf32>
      %mul3A_81 = arith.mulf %mul3A_75, %sub3A_80 : vector<16xf32>
      %swap3A = arith.index_cast %add3A_46 : i32 to index
      %swap3A_82 = arith.constant 0 : index
      %swap3A_83 = tpu.vector_load %arg15[%swap3A, %swap3A_82] {strides = array<i32>} : memref<632x16xf32, #tpu.memory_space<vmem>>, vector<16xf32>,
      tpu.vector_store %arg15[%swap3A, %swap3A_82], %mul3A_81 {strides = array<i32>} : memref<632x16xf32, #tpu.memory_space<vmem>>, vector<16xf32>,
      %get3A_84 = arith.index_cast %add3A_46 : i32 to index
      %get3A_85 = arith.constant 0 : index
      %get3A_86 = tpu.vector_load %arg14[%get3A_84, %get3A_85] {strides = array<i32>} : memref<632x16xf32, #tpu.memory_space<vmem>>, vector<16xf32>,
      %mul3A_87 = arith.mulf %get3A_86, %mul3A_81 : vector<16xf32>
      %swap3A_88 = arith.index_cast %add3A_46 : i32 to index
      %swap3A_89 = arith.constant 0 : index
      %swap3A_90 = tpu.vector_load %arg14[%swap3A_88, %swap3A_89] {strides = array<i32>} : memref<632x16xf32, #tpu.memory_space<vmem>>, vector<16xf32>,
      tpu.vector_store %arg14[%swap3A_88, %swap3A_89], %mul3A_87 {strides = array<i32>} : memref<632x16xf32, #tpu.memory_space<vmem>>, vector<16xf32>,
    }
    %scan3A_30 = arith.constant 632 : i32
    "tpu.region"() ({
      %run_scoped3A_42 = tpu.sem_alloc : memref<!tpu.dma_semaphore, #tpu.memory_space<semaphore_mem>>
      %dma_start3A = arith.constant 0 : i32
      %dma_start3A_43 = tpu.memref_slice %arg10[%mul3A_4, %dma_start3A] : memref<10112x16xf32, #tpu.memory_space<vmem_shared>> -> memref<632x16xf32, #tpu.memory_space<vmem_shared>>
      %dma_start3A_44 = arith.constant 0 : i32
      %dma_start3A_45 = tpu.memref_slice %arg10[%mul3A_4, %dma_start3A_44] : memref<10112x16xf32, #tpu.memory_space<vmem_shared>> -> memref<632x16xf32, #tpu.memory_space<vmem_shared>>
      tpu.enqueue_dma source(%arg14 : memref<632x16xf32, #tpu.memory_space<vmem>>) target(%dma_start3A_45 : memref<632x16xf32, #tpu.memory_space<vmem_shared>>) target_semaphore(%run_scoped3A_42 : memref<!tpu.dma_semaphore, #tpu.memory_space<semaphore_mem>>)
      %dma_wait3A = arith.constant 0 : i32
      %dma_wait3A_46 = tpu.memref_slice %arg10[%mul3A_4, %dma_wait3A] : memref<10112x16xf32, #tpu.memory_space<vmem_shared>> -> memref<632x16xf32, #tpu.memory_space<vmem_shared>>
      %dma_wait3A_47 = arith.constant 0 : i32
      %dma_wait3A_48 = tpu.memref_slice %arg10[%mul3A_4, %dma_wait3A_47] : memref<10112x16xf32, #tpu.memory_space<vmem_shared>> -> memref<632x16xf32, #tpu.memory_space<vmem_shared>>
      tpu.wait_dma2 semaphore(%run_scoped3A_42 : memref<!tpu.dma_semaphore, #tpu.memory_space<semaphore_mem>>) src(%arg14 : memref<632x16xf32, #tpu.memory_space<vmem>>) dst(%dma_wait3A_48 : memref<632x16xf32, #tpu.memory_space<vmem_shared>>)
      tpu.yield
    }) : () -> ()
    %eq3A_31 = arith.constant 0 : i32
    %eq3A_32 = arith.cmpi eq, %arg0, %eq3A_31 : i32
    %convert_element_type3A_33 = arith.extui %eq3A_32 : i1 to i32
    %cond3A_34 = arith.constant 0 : i32
    %cond3A_35 = arith.cmpi ne, %convert_element_type3A_33, %cond3A_34 : i32
    scf.if %cond3A_35 {
      "tpu.region"() ({
        %run_scoped3A_42 = tpu.sem_alloc : memref<!tpu.dma_semaphore, #tpu.memory_space<semaphore_mem>>
        %dma_start3A = arith.constant 0 : i32
        %dma_start3A_43 = tpu.memref_slice %arg7[%mul3A_4, %dma_start3A] : memref<10112x16xf32, #tpu.memory_space<hbm>> -> memref<632x16xf32, #tpu.memory_space<hbm>>
        %dma_start3A_44 = arith.constant 0 : i32
        %dma_start3A_45 = tpu.memref_slice %arg7[%mul3A_4, %dma_start3A_44] : memref<10112x16xf32, #tpu.memory_space<hbm>> -> memref<632x16xf32, #tpu.memory_space<hbm>>
        tpu.enqueue_dma source(%arg14 : memref<632x16xf32, #tpu.memory_space<vmem>>) target(%dma_start3A_45 : memref<632x16xf32, #tpu.memory_space<hbm>>) target_semaphore(%run_scoped3A_42 : memref<!tpu.dma_semaphore, #tpu.memory_space<semaphore_mem>>)
        %dma_wait3A = arith.constant 0 : i32
        %dma_wait3A_46 = tpu.memref_slice %arg7[%mul3A_4, %dma_wait3A] : memref<10112x16xf32, #tpu.memory_space<hbm>> -> memref<632x16xf32, #tpu.memory_space<hbm>>
        %dma_wait3A_47 = arith.constant 0 : i32
        %dma_wait3A_48 = tpu.memref_slice %arg7[%mul3A_4, %dma_wait3A_47] : memref<10112x16xf32, #tpu.memory_space<hbm>> -> memref<632x16xf32, #tpu.memory_space<hbm>>
        tpu.wait_dma2 semaphore(%run_scoped3A_42 : memref<!tpu.dma_semaphore, #tpu.memory_space<semaphore_mem>>) src(%arg14 : memref<632x16xf32, #tpu.memory_space<vmem>>) dst(%dma_wait3A_48 : memref<632x16xf32, #tpu.memory_space<hbm>>)
        tpu.yield
      }) : () -> ()
      "tpu.region"() ({
        %run_scoped3A_42 = tpu.sem_alloc : memref<!tpu.dma_semaphore, #tpu.memory_space<semaphore_mem>>
        %dma_start3A = arith.constant 0 : i32
        %dma_start3A_43 = tpu.memref_slice %arg8[%mul3A_4, %dma_start3A] : memref<10112x16xf32, #tpu.memory_space<hbm>> -> memref<632x16xf32, #tpu.memory_space<hbm>>
        %dma_start3A_44 = arith.constant 0 : i32
        %dma_start3A_45 = tpu.memref_slice %arg8[%mul3A_4, %dma_start3A_44] : memref<10112x16xf32, #tpu.memory_space<hbm>> -> memref<632x16xf32, #tpu.memory_space<hbm>>
        tpu.enqueue_dma source(%arg15 : memref<632x16xf32, #tpu.memory_space<vmem>>) target(%dma_start3A_45 : memref<632x16xf32, #tpu.memory_space<hbm>>) target_semaphore(%run_scoped3A_42 : memref<!tpu.dma_semaphore, #tpu.memory_space<semaphore_mem>>)
        %dma_wait3A = arith.constant 0 : i32
        %dma_wait3A_46 = tpu.memref_slice %arg8[%mul3A_4, %dma_wait3A] : memref<10112x16xf32, #tpu.memory_space<hbm>> -> memref<632x16xf32, #tpu.memory_space<hbm>>
        %dma_wait3A_47 = arith.constant 0 : i32
        %dma_wait3A_48 = tpu.memref_slice %arg8[%mul3A_4, %dma_wait3A_47] : memref<10112x16xf32, #tpu.memory_space<hbm>> -> memref<632x16xf32, #tpu.memory_space<hbm>>
        tpu.wait_dma2 semaphore(%run_scoped3A_42 : memref<!tpu.dma_semaphore, #tpu.memory_space<semaphore_mem>>) src(%arg15 : memref<632x16xf32, #tpu.memory_space<vmem>>) dst(%dma_wait3A_48 : memref<632x16xf32, #tpu.memory_space<hbm>>)
        tpu.yield
      }) : () -> ()
    } else {
    }
    %barrier3A = arith.constant 0 : index
    tpu.barrier barrier_id(%barrier3A)
    %scan3A_36 = arith.constant 0 : i32
    %scan3A_37 = arith.constant 79 : i32
    %scan3A_38 = arith.addi %scan3A_36, %scan3A_37 : i32
    %scan3A_39 = arith.constant 1 : i32
    scf.for %scan3A_42 = %scan3A_36 to %scan3A_38 step %scan3A_39  : i32 {
      %mul3A_43 = arith.constant 1 : i32
      %mul3A_44 = arith.muli %scan3A_42, %mul3A_43 : i32
      %add3A_45 = arith.constant 0 : i32
      %add3A_46 = arith.addi %add3A_45, %mul3A_44 : i32
      %lt3A_47 = arith.cmpi slt, %add3A_46, %select_n3A : i32
      %convert_element_type3A_48 = arith.extui %lt3A_47 : i1 to i32
      %cond3A_49 = arith.constant 0 : i32
      %cond3A_50 = arith.cmpi ne, %convert_element_type3A_48, %cond3A_49 : i32
      scf.if %cond3A_50 {
        "tpu.region"() ({
          %run_scoped3A_51 = tpu.sem_alloc : memref<!tpu.dma_semaphore, #tpu.memory_space<semaphore_mem>>
          %dma_start3A = arith.constant 0 : i32
          %dma_start3A_52 = tpu.memref_slice %arg11[%add3A_46, %dma_start3A] : memref<79x128xi32, #tpu.memory_space<vmem>> -> memref<1x128xi32, #tpu.memory_space<vmem>>
          %dma_start3A_53 = tpu.memref_squeeze %dma_start3A_52 : memref<1x128xi32, #tpu.memory_space<vmem>> -> memref<128xi32, #tpu.memory_space<vmem>>
          %dma_start3A_54 = arith.constant 0 : i32
          %dma_start3A_55 = arith.constant 0 : i32
          %dma_start3A_56 = tpu.memref_slice %arg10[%dma_start3A_54, %dma_start3A_55] : memref<10112x16xf32, #tpu.memory_space<vmem_shared>> -> memref<10112x16xf32, #tpu.memory_space<vmem_shared>>
          tpu.enqueue_indirect_dma source(%dma_start3A_56 : memref<10112x16xf32, #tpu.memory_space<vmem_shared>>) target(%arg13 : memref<128x16xf32, #tpu.memory_space<vmem>>) offsets(%dma_start3A_53 : memref<128xi32, #tpu.memory_space<vmem>>) semaphore(%run_scoped3A_51 : memref<!tpu.dma_semaphore, #tpu.memory_space<semaphore_mem>>)
          %dma_wait3A = arith.constant 0 : i32
          %dma_wait3A_57 = tpu.memref_slice %arg11[%add3A_46, %dma_wait3A] : memref<79x128xi32, #tpu.memory_space<vmem>> -> memref<1x128xi32, #tpu.memory_space<vmem>>
          %dma_wait3A_58 = tpu.memref_squeeze %dma_wait3A_57 : memref<1x128xi32, #tpu.memory_space<vmem>> -> memref<128xi32, #tpu.memory_space<vmem>>
          %dma_wait3A_59 = arith.constant 0 : i32
          %dma_wait3A_60 = arith.constant 0 : i32
          %dma_wait3A_61 = tpu.memref_slice %arg10[%dma_wait3A_59, %dma_wait3A_60] : memref<10112x16xf32, #tpu.memory_space<vmem_shared>> -> memref<10112x16xf32, #tpu.memory_space<vmem_shared>>
          tpu.wait_indirect_dma semaphore(%run_scoped3A_51 : memref<!tpu.dma_semaphore, #tpu.memory_space<semaphore_mem>>) src(%dma_wait3A_61 : memref<10112x16xf32, #tpu.memory_space<vmem_shared>>) dst(%arg13 : memref<128x16xf32, #tpu.memory_space<vmem>>)
          tpu.yield
        }) : () -> ()
        "tpu.region"() ({
          %run_scoped3A_51 = tpu.sem_alloc : memref<!tpu.dma_semaphore, #tpu.memory_space<semaphore_mem>>
          %dma_start3A = arith.constant 0 : i32
          %dma_start3A_52 = tpu.memref_slice %arg12[%add3A_46, %dma_start3A] : memref<79x128xi32, #tpu.memory_space<vmem>> -> memref<1x128xi32, #tpu.memory_space<vmem>>
          %dma_start3A_53 = tpu.memref_squeeze %dma_start3A_52 : memref<1x128xi32, #tpu.memory_space<vmem>> -> memref<128xi32, #tpu.memory_space<vmem>>
          %dma_start3A_54 = arith.constant 0 : i32
          %dma_start3A_55 = arith.constant 0 : i32
          %dma_start3A_56 = tpu.memref_slice %arg9[%dma_start3A_54, %dma_start3A_55] : memref<10112x16xf32, #tpu.memory_space<vmem_shared>> -> memref<10112x16xf32, #tpu.memory_space<vmem_shared>>
          tpu.enqueue_indirect_dma source(%arg13 : memref<128x16xf32, #tpu.memory_space<vmem>>) target(%dma_start3A_56 : memref<10112x16xf32, #tpu.memory_space<vmem_shared>>) offsets(%dma_start3A_53 : memref<128xi32, #tpu.memory_space<vmem>>) semaphore(%run_scoped3A_51 : memref<!tpu.dma_semaphore, #tpu.memory_space<semaphore_mem>>) {add = true}
          %dma_wait3A = arith.constant 0 : i32
          %dma_wait3A_57 = tpu.memref_slice %arg12[%add3A_46, %dma_wait3A] : memref<79x128xi32, #tpu.memory_space<vmem>> -> memref<1x128xi32, #tpu.memory_space<vmem>>
          %dma_wait3A_58 = tpu.memref_squeeze %dma_wait3A_57 : memref<1x128xi32, #tpu.memory_space<vmem>> -> memref<128xi32, #tpu.memory_space<vmem>>
          %dma_wait3A_59 = arith.constant 0 : i32
          %dma_wait3A_60 = arith.constant 0 : i32
          %dma_wait3A_61 = tpu.memref_slice %arg9[%dma_wait3A_59, %dma_wait3A_60] : memref<10112x16xf32, #tpu.memory_space<vmem_shared>> -> memref<10112x16xf32, #tpu.memory_space<vmem_shared>>
          tpu.wait_indirect_dma semaphore(%run_scoped3A_51 : memref<!tpu.dma_semaphore, #tpu.memory_space<semaphore_mem>>) src(%arg13 : memref<128x16xf32, #tpu.memory_space<vmem>>) dst(%dma_wait3A_61 : memref<10112x16xf32, #tpu.memory_space<vmem_shared>>)
          tpu.yield
        }) : () -> ()
      } else {
      }
    }
    %scan3A_40 = arith.constant 79 : i32
    %barrier3A_41 = arith.constant 0 : index
    tpu.barrier barrier_id(%barrier3A_41)
    "tpu.region"() ({
      %run_scoped3A_42 = tpu.sem_alloc : memref<!tpu.dma_semaphore, #tpu.memory_space<semaphore_mem>>
      %dma_start3A = arith.constant 0 : i32
      %dma_start3A_43 = tpu.memref_slice %arg6[%arg0, %mul3A_4, %dma_start3A] : memref<2x10112x16xf32, #tpu.memory_space<hbm>> -> memref<1x632x16xf32, #tpu.memory_space<hbm>>
      %dma_start3A_44 = tpu.memref_squeeze %dma_start3A_43 : memref<1x632x16xf32, #tpu.memory_space<hbm>> -> memref<632x16xf32, #tpu.memory_space<hbm>>
      %dma_start3A_45 = arith.constant 0 : i32
      %dma_start3A_46 = tpu.memref_slice %arg9[%mul3A_4, %dma_start3A_45] : memref<10112x16xf32, #tpu.memory_space<vmem_shared>> -> memref<632x16xf32, #tpu.memory_space<vmem_shared>>
      tpu.enqueue_dma source(%dma_start3A_46 : memref<632x16xf32, #tpu.memory_space<vmem_shared>>) target(%dma_start3A_44 : memref<632x16xf32, #tpu.memory_space<hbm>>) target_semaphore(%run_scoped3A_42 : memref<!tpu.dma_semaphore, #tpu.memory_space<semaphore_mem>>)
      %dma_wait3A = arith.constant 0 : i32
      %dma_wait3A_47 = tpu.memref_slice %arg6[%arg0, %mul3A_4, %dma_wait3A] : memref<2x10112x16xf32, #tpu.memory_space<hbm>> -> memref<1x632x16xf32, #tpu.memory_space<hbm>>
      %dma_wait3A_48 = tpu.memref_squeeze %dma_wait3A_47 : memref<1x632x16xf32, #tpu.memory_space<hbm>> -> memref<632x16xf32, #tpu.memory_space<hbm>>
      %dma_wait3A_49 = arith.constant 0 : i32
      %dma_wait3A_50 = tpu.memref_slice %arg9[%mul3A_4, %dma_wait3A_49] : memref<10112x16xf32, #tpu.memory_space<vmem_shared>> -> memref<632x16xf32, #tpu.memory_space<vmem_shared>>
      tpu.wait_dma2 semaphore(%run_scoped3A_42 : memref<!tpu.dma_semaphore, #tpu.memory_space<semaphore_mem>>) src(%dma_wait3A_50 : memref<632x16xf32, #tpu.memory_space<vmem_shared>>) dst(%dma_wait3A_48 : memref<632x16xf32, #tpu.memory_space<hbm>>)
      tpu.yield
    }) : () -> ()
    return
  }
}

#map = affine_map<(d0, d1) -> (0, 0, 0)>
#map1 = affine_map<(d0, d1) -> (0, 0)>
module attributes {stable_mosaic.version = 14 : i64} {
  func.func @_sc_final(%arg0: i32, %arg1: i32, %arg2: memref<2x10112x16xf32, #tpu.memory_space<hbm>>, %arg3: memref<10112x16xf32, #tpu.memory_space<hbm>>, %arg4: memref<10112x16xf32, #tpu.memory_space<hbm>>, %arg5: memref<10112x16xf32, #tpu.memory_space<hbm>>, %arg6: memref<316x16xf32, #tpu.memory_space<vmem>>, %arg7: memref<316x16xf32, #tpu.memory_space<vmem>>, %arg8: memref<316x16xf32, #tpu.memory_space<vmem>>, %arg9: memref<316x16xf32, #tpu.memory_space<vmem>>, %arg10: memref<16xf32, #tpu.memory_space<vmem>>) attributes {dimension_semantics = [#tpu.dimension_semantics<core_parallel>, #tpu.dimension_semantics<subcore_parallel>], iteration_bounds = array<i64: 2, 16>, scalar_prefetch = 0 : i64, scratch_operands = 5 : i64, tpu.core_type = #tpu.core_type<sc_vector_subcore>, window_params = [{transform_indices = #map}, {transform_indices = #map1}, {transform_indices = #map1}, {transform_indices = #map1}]} {
    %mul3A = arith.constant 2 : i32
    %mul3A_0 = arith.muli %arg1, %mul3A : i32
    %add3A = arith.addi %mul3A_0, %arg0 : i32
    %mul3A_1 = arith.constant 316 : i32
    %mul3A_2 = arith.muli %add3A, %mul3A_1 : i32
    %run_scoped3A = arith.constant 0 : i32
    "tpu.region"() ({
      %run_scoped3A_8 = tpu.sem_alloc : memref<!tpu.dma_semaphore, #tpu.memory_space<semaphore_mem>>
      %dma_start3A = arith.constant 0 : i32
      %dma_start3A_9 = tpu.memref_slice %arg2[%run_scoped3A, %mul3A_2, %dma_start3A] : memref<2x10112x16xf32, #tpu.memory_space<hbm>> -> memref<1x316x16xf32, #tpu.memory_space<hbm>>
      %dma_start3A_10 = tpu.memref_squeeze %dma_start3A_9 : memref<1x316x16xf32, #tpu.memory_space<hbm>> -> memref<316x16xf32, #tpu.memory_space<hbm>>
      %dma_start3A_11 = arith.constant 0 : i32
      %dma_start3A_12 = tpu.memref_slice %arg2[%run_scoped3A, %mul3A_2, %dma_start3A_11] : memref<2x10112x16xf32, #tpu.memory_space<hbm>> -> memref<1x316x16xf32, #tpu.memory_space<hbm>>
      %dma_start3A_13 = tpu.memref_squeeze %dma_start3A_12 : memref<1x316x16xf32, #tpu.memory_space<hbm>> -> memref<316x16xf32, #tpu.memory_space<hbm>>
      tpu.enqueue_dma source(%dma_start3A_13 : memref<316x16xf32, #tpu.memory_space<hbm>>) target(%arg6 : memref<316x16xf32, #tpu.memory_space<vmem>>) target_semaphore(%run_scoped3A_8 : memref<!tpu.dma_semaphore, #tpu.memory_space<semaphore_mem>>)
      %dma_wait3A = arith.constant 0 : i32
      %dma_wait3A_14 = tpu.memref_slice %arg2[%run_scoped3A, %mul3A_2, %dma_wait3A] : memref<2x10112x16xf32, #tpu.memory_space<hbm>> -> memref<1x316x16xf32, #tpu.memory_space<hbm>>
      %dma_wait3A_15 = tpu.memref_squeeze %dma_wait3A_14 : memref<1x316x16xf32, #tpu.memory_space<hbm>> -> memref<316x16xf32, #tpu.memory_space<hbm>>
      %dma_wait3A_16 = arith.constant 0 : i32
      %dma_wait3A_17 = tpu.memref_slice %arg2[%run_scoped3A, %mul3A_2, %dma_wait3A_16] : memref<2x10112x16xf32, #tpu.memory_space<hbm>> -> memref<1x316x16xf32, #tpu.memory_space<hbm>>
      %dma_wait3A_18 = tpu.memref_squeeze %dma_wait3A_17 : memref<1x316x16xf32, #tpu.memory_space<hbm>> -> memref<316x16xf32, #tpu.memory_space<hbm>>
      tpu.wait_dma2 semaphore(%run_scoped3A_8 : memref<!tpu.dma_semaphore, #tpu.memory_space<semaphore_mem>>) src(%dma_wait3A_18 : memref<316x16xf32, #tpu.memory_space<hbm>>) dst(%arg6 : memref<316x16xf32, #tpu.memory_space<vmem>>)
      tpu.yield
    }) : () -> ()
    %run_scoped3A_3 = arith.constant 1 : i32
    "tpu.region"() ({
      %run_scoped3A_8 = tpu.sem_alloc : memref<!tpu.dma_semaphore, #tpu.memory_space<semaphore_mem>>
      %dma_start3A = arith.constant 0 : i32
      %dma_start3A_9 = tpu.memref_slice %arg2[%run_scoped3A_3, %mul3A_2, %dma_start3A] : memref<2x10112x16xf32, #tpu.memory_space<hbm>> -> memref<1x316x16xf32, #tpu.memory_space<hbm>>
      %dma_start3A_10 = tpu.memref_squeeze %dma_start3A_9 : memref<1x316x16xf32, #tpu.memory_space<hbm>> -> memref<316x16xf32, #tpu.memory_space<hbm>>
      %dma_start3A_11 = arith.constant 0 : i32
      %dma_start3A_12 = tpu.memref_slice %arg2[%run_scoped3A_3, %mul3A_2, %dma_start3A_11] : memref<2x10112x16xf32, #tpu.memory_space<hbm>> -> memref<1x316x16xf32, #tpu.memory_space<hbm>>
      %dma_start3A_13 = tpu.memref_squeeze %dma_start3A_12 : memref<1x316x16xf32, #tpu.memory_space<hbm>> -> memref<316x16xf32, #tpu.memory_space<hbm>>
      tpu.enqueue_dma source(%dma_start3A_13 : memref<316x16xf32, #tpu.memory_space<hbm>>) target(%arg7 : memref<316x16xf32, #tpu.memory_space<vmem>>) target_semaphore(%run_scoped3A_8 : memref<!tpu.dma_semaphore, #tpu.memory_space<semaphore_mem>>)
      %dma_wait3A = arith.constant 0 : i32
      %dma_wait3A_14 = tpu.memref_slice %arg2[%run_scoped3A_3, %mul3A_2, %dma_wait3A] : memref<2x10112x16xf32, #tpu.memory_space<hbm>> -> memref<1x316x16xf32, #tpu.memory_space<hbm>>
      %dma_wait3A_15 = tpu.memref_squeeze %dma_wait3A_14 : memref<1x316x16xf32, #tpu.memory_space<hbm>> -> memref<316x16xf32, #tpu.memory_space<hbm>>
      %dma_wait3A_16 = arith.constant 0 : i32
      %dma_wait3A_17 = tpu.memref_slice %arg2[%run_scoped3A_3, %mul3A_2, %dma_wait3A_16] : memref<2x10112x16xf32, #tpu.memory_space<hbm>> -> memref<1x316x16xf32, #tpu.memory_space<hbm>>
      %dma_wait3A_18 = tpu.memref_squeeze %dma_wait3A_17 : memref<1x316x16xf32, #tpu.memory_space<hbm>> -> memref<316x16xf32, #tpu.memory_space<hbm>>
      tpu.wait_dma2 semaphore(%run_scoped3A_8 : memref<!tpu.dma_semaphore, #tpu.memory_space<semaphore_mem>>) src(%dma_wait3A_18 : memref<316x16xf32, #tpu.memory_space<hbm>>) dst(%arg7 : memref<316x16xf32, #tpu.memory_space<vmem>>)
      tpu.yield
    }) : () -> ()
    "tpu.region"() ({
      %run_scoped3A_8 = tpu.sem_alloc : memref<!tpu.dma_semaphore, #tpu.memory_space<semaphore_mem>>
      %dma_start3A = arith.constant 0 : i32
      %dma_start3A_9 = tpu.memref_slice %arg3[%mul3A_2, %dma_start3A] : memref<10112x16xf32, #tpu.memory_space<hbm>> -> memref<316x16xf32, #tpu.memory_space<hbm>>
      %dma_start3A_10 = arith.constant 0 : i32
      %dma_start3A_11 = tpu.memref_slice %arg3[%mul3A_2, %dma_start3A_10] : memref<10112x16xf32, #tpu.memory_space<hbm>> -> memref<316x16xf32, #tpu.memory_space<hbm>>
      tpu.enqueue_dma source(%dma_start3A_11 : memref<316x16xf32, #tpu.memory_space<hbm>>) target(%arg8 : memref<316x16xf32, #tpu.memory_space<vmem>>) target_semaphore(%run_scoped3A_8 : memref<!tpu.dma_semaphore, #tpu.memory_space<semaphore_mem>>)
      %dma_wait3A = arith.constant 0 : i32
      %dma_wait3A_12 = tpu.memref_slice %arg3[%mul3A_2, %dma_wait3A] : memref<10112x16xf32, #tpu.memory_space<hbm>> -> memref<316x16xf32, #tpu.memory_space<hbm>>
      %dma_wait3A_13 = arith.constant 0 : i32
      %dma_wait3A_14 = tpu.memref_slice %arg3[%mul3A_2, %dma_wait3A_13] : memref<10112x16xf32, #tpu.memory_space<hbm>> -> memref<316x16xf32, #tpu.memory_space<hbm>>
      tpu.wait_dma2 semaphore(%run_scoped3A_8 : memref<!tpu.dma_semaphore, #tpu.memory_space<semaphore_mem>>) src(%dma_wait3A_14 : memref<316x16xf32, #tpu.memory_space<hbm>>) dst(%arg8 : memref<316x16xf32, #tpu.memory_space<vmem>>)
      tpu.yield
    }) : () -> ()
    "tpu.region"() ({
      %run_scoped3A_8 = tpu.sem_alloc : memref<!tpu.dma_semaphore, #tpu.memory_space<semaphore_mem>>
      %dma_start3A = arith.constant 0 : i32
      %dma_start3A_9 = tpu.memref_slice %arg4[%mul3A_2, %dma_start3A] : memref<10112x16xf32, #tpu.memory_space<hbm>> -> memref<316x16xf32, #tpu.memory_space<hbm>>
      %dma_start3A_10 = arith.constant 0 : i32
      %dma_start3A_11 = tpu.memref_slice %arg4[%mul3A_2, %dma_start3A_10] : memref<10112x16xf32, #tpu.memory_space<hbm>> -> memref<316x16xf32, #tpu.memory_space<hbm>>
      tpu.enqueue_dma source(%dma_start3A_11 : memref<316x16xf32, #tpu.memory_space<hbm>>) target(%arg9 : memref<316x16xf32, #tpu.memory_space<vmem>>) target_semaphore(%run_scoped3A_8 : memref<!tpu.dma_semaphore, #tpu.memory_space<semaphore_mem>>)
      %dma_wait3A = arith.constant 0 : i32
      %dma_wait3A_12 = tpu.memref_slice %arg4[%mul3A_2, %dma_wait3A] : memref<10112x16xf32, #tpu.memory_space<hbm>> -> memref<316x16xf32, #tpu.memory_space<hbm>>
      %dma_wait3A_13 = arith.constant 0 : i32
      %dma_wait3A_14 = tpu.memref_slice %arg4[%mul3A_2, %dma_wait3A_13] : memref<10112x16xf32, #tpu.memory_space<hbm>> -> memref<316x16xf32, #tpu.memory_space<hbm>>
      tpu.wait_dma2 semaphore(%run_scoped3A_8 : memref<!tpu.dma_semaphore, #tpu.memory_space<semaphore_mem>>) src(%dma_wait3A_14 : memref<316x16xf32, #tpu.memory_space<hbm>>) dst(%arg9 : memref<316x16xf32, #tpu.memory_space<vmem>>)
      tpu.yield
    }) : () -> ()
    %iota3A = tpu.iota {dimensions = array<i32: 0>} : vector<16xi32>
    %scan3A = arith.constant 0 : i32
    %scan3A_4 = arith.constant 316 : i32
    %scan3A_5 = arith.addi %scan3A, %scan3A_4 : i32
    %scan3A_6 = arith.constant 1 : i32
    scf.for %scan3A_8 = %scan3A to %scan3A_5 step %scan3A_6  : i32 {
      %mul3A_9 = arith.constant 1 : i32
      %mul3A_10 = arith.muli %scan3A_8, %mul3A_9 : i32
      %add3A_11 = arith.constant 0 : i32
      %add3A_12 = arith.addi %add3A_11, %mul3A_10 : i32
      %get3A = arith.index_cast %add3A_12 : i32 to index
      %get3A_13 = arith.constant 0 : index
      %get3A_14 = tpu.vector_load %arg6[%get3A, %get3A_13] {strides = array<i32>} : memref<316x16xf32, #tpu.memory_space<vmem>>, vector<16xf32>,
      %get3A_15 = arith.index_cast %add3A_12 : i32 to index
      %get3A_16 = arith.constant 0 : index
      %get3A_17 = tpu.vector_load %arg7[%get3A_15, %get3A_16] {strides = array<i32>} : memref<316x16xf32, #tpu.memory_space<vmem>>, vector<16xf32>,
      %add3A_18 = arith.addf %get3A_14, %get3A_17 : vector<16xf32>
      %get3A_19 = arith.index_cast %add3A_12 : i32 to index
      %get3A_20 = arith.constant 0 : index
      %get3A_21 = tpu.vector_load %arg8[%get3A_19, %get3A_20] {strides = array<i32>} : memref<316x16xf32, #tpu.memory_space<vmem>>, vector<16xf32>,
      %add3A_22 = arith.addf %add3A_18, %get3A_21 : vector<16xf32>
      %swap3A = arith.constant 0 : index
      %swap3A_23 = tpu.vector_load %arg10[%swap3A] {strides = array<i32>} : memref<16xf32, #tpu.memory_space<vmem>>, vector<16xf32>,
      tpu.vector_store %arg10[%swap3A], %add3A_22 {strides = array<i32>} : memref<16xf32, #tpu.memory_space<vmem>>, vector<16xf32>,
      %xor3A = arith.constant 8 : i32
      %xor3A_24 = vector.broadcast %xor3A : i32 to vector<16xi32>
      %xor3A_25 = arith.xori %iota3A, %xor3A_24 : vector<16xi32>
      %gather3A = tpu.vector_load_idx %arg10[%xor3A_25] : memref<16xf32, #tpu.memory_space<vmem>>[vector<16xi32>], vector<16xf32>,
      %add3A_26 = arith.addf %add3A_22, %gather3A : vector<16xf32>
      %swap3A_27 = arith.constant 0 : index
      %swap3A_28 = tpu.vector_load %arg10[%swap3A_27] {strides = array<i32>} : memref<16xf32, #tpu.memory_space<vmem>>, vector<16xf32>,
      tpu.vector_store %arg10[%swap3A_27], %add3A_26 {strides = array<i32>} : memref<16xf32, #tpu.memory_space<vmem>>, vector<16xf32>,
      %xor3A_29 = arith.constant 4 : i32
      %xor3A_30 = vector.broadcast %xor3A_29 : i32 to vector<16xi32>
      %xor3A_31 = arith.xori %iota3A, %xor3A_30 : vector<16xi32>
      %gather3A_32 = tpu.vector_load_idx %arg10[%xor3A_31] : memref<16xf32, #tpu.memory_space<vmem>>[vector<16xi32>], vector<16xf32>,
      %add3A_33 = arith.addf %add3A_26, %gather3A_32 : vector<16xf32>
      %swap3A_34 = arith.constant 0 : index
      %swap3A_35 = tpu.vector_load %arg10[%swap3A_34] {strides = array<i32>} : memref<16xf32, #tpu.memory_space<vmem>>, vector<16xf32>,
      tpu.vector_store %arg10[%swap3A_34], %add3A_33 {strides = array<i32>} : memref<16xf32, #tpu.memory_space<vmem>>, vector<16xf32>,
      %xor3A_36 = arith.constant 2 : i32
      %xor3A_37 = vector.broadcast %xor3A_36 : i32 to vector<16xi32>
      %xor3A_38 = arith.xori %iota3A, %xor3A_37 : vector<16xi32>
      %gather3A_39 = tpu.vector_load_idx %arg10[%xor3A_38] : memref<16xf32, #tpu.memory_space<vmem>>[vector<16xi32>], vector<16xf32>,
      %add3A_40 = arith.addf %add3A_33, %gather3A_39 : vector<16xf32>
      %swap3A_41 = arith.constant 0 : index
      %swap3A_42 = tpu.vector_load %arg10[%swap3A_41] {strides = array<i32>} : memref<16xf32, #tpu.memory_space<vmem>>, vector<16xf32>,
      tpu.vector_store %arg10[%swap3A_41], %add3A_40 {strides = array<i32>} : memref<16xf32, #tpu.memory_space<vmem>>, vector<16xf32>,
      %xor3A_43 = arith.constant 1 : i32
      %xor3A_44 = vector.broadcast %xor3A_43 : i32 to vector<16xi32>
      %xor3A_45 = arith.xori %iota3A, %xor3A_44 : vector<16xi32>
      %gather3A_46 = tpu.vector_load_idx %arg10[%xor3A_45] : memref<16xf32, #tpu.memory_space<vmem>>[vector<16xi32>], vector<16xf32>,
      %add3A_47 = arith.addf %add3A_40, %gather3A_46 : vector<16xf32>
      %get3A_48 = arith.index_cast %add3A_12 : i32 to index
      %get3A_49 = arith.constant 0 : index
      %get3A_50 = tpu.vector_load %arg9[%get3A_48, %get3A_49] {strides = array<i32>} : memref<316x16xf32, #tpu.memory_space<vmem>>, vector<16xf32>,
      %mul3A_51 = arith.mulf %add3A_47, %get3A_50 : vector<16xf32>
      %neg3A = arith.constant 0.000000e+00 : f32
      %neg3A_52 = vector.broadcast %neg3A : f32 to vector<16xf32>
      %neg3A_53 = arith.subf %neg3A_52, %mul3A_51 : vector<16xf32>
      %exp3A = math.exp %neg3A_53 : vector<16xf32>
      %add3A_54 = arith.constant 1.000000e+00 : f32
      %add3A_55 = vector.broadcast %add3A_54 : f32 to vector<16xf32>
      %add3A_56 = arith.addf %add3A_55, %exp3A : vector<16xf32>
      %div3A = arith.constant 1.000000e+00 : f32
      %div3A_57 = vector.broadcast %div3A : f32 to vector<16xf32>
      %div3A_58 = arith.divf %div3A_57, %add3A_56 : vector<16xf32>
      %swap3A_59 = arith.index_cast %add3A_12 : i32 to index
      %swap3A_60 = arith.constant 0 : index
      %swap3A_61 = tpu.vector_load %arg6[%swap3A_59, %swap3A_60] {strides = array<i32>} : memref<316x16xf32, #tpu.memory_space<vmem>>, vector<16xf32>,
      tpu.vector_store %arg6[%swap3A_59, %swap3A_60], %div3A_58 {strides = array<i32>} : memref<316x16xf32, #tpu.memory_space<vmem>>, vector<16xf32>,
    }
    %scan3A_7 = arith.constant 316 : i32
    "tpu.region"() ({
      %run_scoped3A_8 = tpu.sem_alloc : memref<!tpu.dma_semaphore, #tpu.memory_space<semaphore_mem>>
      %dma_start3A = arith.constant 0 : i32
      %dma_start3A_9 = tpu.memref_slice %arg5[%mul3A_2, %dma_start3A] : memref<10112x16xf32, #tpu.memory_space<hbm>> -> memref<316x16xf32, #tpu.memory_space<hbm>>
      %dma_start3A_10 = arith.constant 0 : i32
      %dma_start3A_11 = tpu.memref_slice %arg5[%mul3A_2, %dma_start3A_10] : memref<10112x16xf32, #tpu.memory_space<hbm>> -> memref<316x16xf32, #tpu.memory_space<hbm>>
      tpu.enqueue_dma source(%arg6 : memref<316x16xf32, #tpu.memory_space<vmem>>) target(%dma_start3A_11 : memref<316x16xf32, #tpu.memory_space<hbm>>) target_semaphore(%run_scoped3A_8 : memref<!tpu.dma_semaphore, #tpu.memory_space<semaphore_mem>>)
      %dma_wait3A = arith.constant 0 : i32
      %dma_wait3A_12 = tpu.memref_slice %arg5[%mul3A_2, %dma_wait3A] : memref<10112x16xf32, #tpu.memory_space<hbm>> -> memref<316x16xf32, #tpu.memory_space<hbm>>
      %dma_wait3A_13 = arith.constant 0 : i32
      %dma_wait3A_14 = tpu.memref_slice %arg5[%mul3A_2, %dma_wait3A_13] : memref<10112x16xf32, #tpu.memory_space<hbm>> -> memref<316x16xf32, #tpu.memory_space<hbm>>
      tpu.wait_dma2 semaphore(%run_scoped3A_8 : memref<!tpu.dma_semaphore, #tpu.memory_space<semaphore_mem>>) src(%arg6 : memref<316x16xf32, #tpu.memory_space<vmem>>) dst(%dma_wait3A_14 : memref<316x16xf32, #tpu.memory_space<hbm>>)
      tpu.yield
    }) : () -> ()
    return
  }
}

#map = affine_map<(d0, d1) -> (0, 0, 0)>
#map1 = affine_map<(d0, d1) -> (0, 0)>
module attributes {stable_mosaic.version = 14 : i64} {
  func.func @_sc_gs2(%arg0: i32, %arg1: i32, %arg2: memref<2x10112x16xf32, #tpu.memory_space<hbm>>, %arg3: memref<10112x16xf32, #tpu.memory_space<hbm>>, %arg4: memref<10112x16xf32, #tpu.memory_space<hbm>>, %arg5: memref<2x16xf32, #tpu.memory_space<hbm>>, %arg6: memref<2x2500x128xi32, #tpu.memory_space<hbm>>, %arg7: memref<10112x16xf32, #tpu.memory_space<hbm>>, %arg8: memref<2x10112x16xf32, #tpu.memory_space<hbm>>, %arg9: memref<10112x16xf32, #tpu.memory_space<hbm>>, %arg10: memref<10112x16xf32, #tpu.memory_space<vmem_shared>>, %arg11: memref<10112x16xf32, #tpu.memory_space<vmem_shared>>, %arg12: memref<79x128xi32, #tpu.memory_space<vmem>>, %arg13: memref<79x128xi32, #tpu.memory_space<vmem>>, %arg14: memref<128x16xf32, #tpu.memory_space<vmem>>, %arg15: memref<632x16xf32, #tpu.memory_space<vmem>>, %arg16: memref<632x16xf32, #tpu.memory_space<vmem>>, %arg17: memref<632x16xf32, #tpu.memory_space<vmem>>, %arg18: memref<632x16xf32, #tpu.memory_space<vmem>>, %arg19: memref<2x16xf32, #tpu.memory_space<vmem>>) attributes {dimension_semantics = [#tpu.dimension_semantics<core_parallel>, #tpu.dimension_semantics<subcore_parallel>], iteration_bounds = array<i64: 2, 16>, scalar_prefetch = 0 : i64, scratch_operands = 10 : i64, tpu.core_type = #tpu.core_type<sc_vector_subcore>, window_params = [{transform_indices = #map}, {transform_indices = #map1}, {transform_indices = #map1}, {transform_indices = #map1}, {transform_indices = #map}, {transform_indices = #map1}, {transform_indices = #map}, {transform_indices = #map1}]} {
    %mul3A = arith.constant 2 : i32
    %mul3A_0 = arith.muli %arg1, %mul3A : i32
    %add3A = arith.addi %mul3A_0, %arg0 : i32
    %eq3A = arith.constant 31 : i32
    %eq3A_1 = arith.cmpi eq, %add3A, %eq3A : i32
    %jit3A = arith.constant 51 : i32
    %jit3A_2 = arith.constant 79 : i32
    %select_n3A = arith.select %eq3A_1, %jit3A, %jit3A_2 : i32
    %mul3A_3 = arith.constant 632 : i32
    %mul3A_4 = arith.muli %arg1, %mul3A_3 : i32
    %mul3A_5 = arith.constant 79 : i32
    %mul3A_6 = arith.muli %add3A, %mul3A_5 : i32
    %lt3A = arith.constant 31 : i32
    %lt3A_7 = arith.cmpi slt, %add3A, %lt3A : i32
    %convert_element_type3A = arith.extui %lt3A_7 : i1 to i32
    %cond3A = arith.constant 0 : i32
    %cond3A_8 = arith.cmpi ne, %convert_element_type3A, %cond3A : i32
    scf.if %cond3A_8 {
      %run_scoped3A_42 = arith.constant 0 : i32
      "tpu.region"() ({
        %run_scoped3A_43 = tpu.sem_alloc : memref<!tpu.dma_semaphore, #tpu.memory_space<semaphore_mem>>
        %dma_start3A = arith.constant 0 : i32
        %dma_start3A_44 = tpu.memref_slice %arg6[%run_scoped3A_42, %mul3A_6, %dma_start3A] : memref<2x2500x128xi32, #tpu.memory_space<hbm>> -> memref<1x79x128xi32, #tpu.memory_space<hbm>>
        %dma_start3A_45 = tpu.memref_squeeze %dma_start3A_44 : memref<1x79x128xi32, #tpu.memory_space<hbm>> -> memref<79x128xi32, #tpu.memory_space<hbm>>
        %dma_start3A_46 = arith.constant 0 : i32
        %dma_start3A_47 = tpu.memref_slice %arg6[%run_scoped3A_42, %mul3A_6, %dma_start3A_46] : memref<2x2500x128xi32, #tpu.memory_space<hbm>> -> memref<1x79x128xi32, #tpu.memory_space<hbm>>
        %dma_start3A_48 = tpu.memref_squeeze %dma_start3A_47 : memref<1x79x128xi32, #tpu.memory_space<hbm>> -> memref<79x128xi32, #tpu.memory_space<hbm>>
        tpu.enqueue_dma source(%dma_start3A_48 : memref<79x128xi32, #tpu.memory_space<hbm>>) target(%arg12 : memref<79x128xi32, #tpu.memory_space<vmem>>) target_semaphore(%run_scoped3A_43 : memref<!tpu.dma_semaphore, #tpu.memory_space<semaphore_mem>>)
        %dma_wait3A = arith.constant 0 : i32
        %dma_wait3A_49 = tpu.memref_slice %arg6[%run_scoped3A_42, %mul3A_6, %dma_wait3A] : memref<2x2500x128xi32, #tpu.memory_space<hbm>> -> memref<1x79x128xi32, #tpu.memory_space<hbm>>
        %dma_wait3A_50 = tpu.memref_squeeze %dma_wait3A_49 : memref<1x79x128xi32, #tpu.memory_space<hbm>> -> memref<79x128xi32, #tpu.memory_space<hbm>>
        %dma_wait3A_51 = arith.constant 0 : i32
        %dma_wait3A_52 = tpu.memref_slice %arg6[%run_scoped3A_42, %mul3A_6, %dma_wait3A_51] : memref<2x2500x128xi32, #tpu.memory_space<hbm>> -> memref<1x79x128xi32, #tpu.memory_space<hbm>>
        %dma_wait3A_53 = tpu.memref_squeeze %dma_wait3A_52 : memref<1x79x128xi32, #tpu.memory_space<hbm>> -> memref<79x128xi32, #tpu.memory_space<hbm>>
        tpu.wait_dma2 semaphore(%run_scoped3A_43 : memref<!tpu.dma_semaphore, #tpu.memory_space<semaphore_mem>>) src(%dma_wait3A_53 : memref<79x128xi32, #tpu.memory_space<hbm>>) dst(%arg12 : memref<79x128xi32, #tpu.memory_space<vmem>>)
        tpu.yield
      }) : () -> ()
    } else {
    }
    %eq3A_9 = arith.constant 31 : i32
    %eq3A_10 = arith.cmpi eq, %add3A, %eq3A_9 : i32
    %convert_element_type3A_11 = arith.extui %eq3A_10 : i1 to i32
    %cond3A_12 = arith.constant 0 : i32
    %cond3A_13 = arith.cmpi ne, %convert_element_type3A_11, %cond3A_12 : i32
    scf.if %cond3A_13 {
      %run_scoped3A_42 = arith.constant 0 : i32
      "tpu.region"() ({
        %run_scoped3A_43 = tpu.sem_alloc : memref<!tpu.dma_semaphore, #tpu.memory_space<semaphore_mem>>
        %dma_start3A = arith.constant 0 : i32
        %dma_start3A_44 = arith.constant 0 : i32
        %dma_start3A_45 = tpu.memref_slice %arg12[%dma_start3A, %dma_start3A_44] : memref<79x128xi32, #tpu.memory_space<vmem>> -> memref<51x128xi32, #tpu.memory_space<vmem>>
        %dma_start3A_46 = arith.constant 0 : i32
        %dma_start3A_47 = tpu.memref_slice %arg6[%run_scoped3A_42, %mul3A_6, %dma_start3A_46] : memref<2x2500x128xi32, #tpu.memory_space<hbm>> -> memref<1x51x128xi32, #tpu.memory_space<hbm>>
        %dma_start3A_48 = tpu.memref_squeeze %dma_start3A_47 : memref<1x51x128xi32, #tpu.memory_space<hbm>> -> memref<51x128xi32, #tpu.memory_space<hbm>>
        %dma_start3A_49 = arith.constant 0 : i32
        %dma_start3A_50 = arith.constant 0 : i32
        %dma_start3A_51 = tpu.memref_slice %arg12[%dma_start3A_49, %dma_start3A_50] : memref<79x128xi32, #tpu.memory_space<vmem>> -> memref<51x128xi32, #tpu.memory_space<vmem>>
        %dma_start3A_52 = arith.constant 0 : i32
        %dma_start3A_53 = tpu.memref_slice %arg6[%run_scoped3A_42, %mul3A_6, %dma_start3A_52] : memref<2x2500x128xi32, #tpu.memory_space<hbm>> -> memref<1x51x128xi32, #tpu.memory_space<hbm>>
        %dma_start3A_54 = tpu.memref_squeeze %dma_start3A_53 : memref<1x51x128xi32, #tpu.memory_space<hbm>> -> memref<51x128xi32, #tpu.memory_space<hbm>>
        tpu.enqueue_dma source(%dma_start3A_54 : memref<51x128xi32, #tpu.memory_space<hbm>>) target(%dma_start3A_51 : memref<51x128xi32, #tpu.memory_space<vmem>>) target_semaphore(%run_scoped3A_43 : memref<!tpu.dma_semaphore, #tpu.memory_space<semaphore_mem>>)
        %dma_wait3A = arith.constant 0 : i32
        %dma_wait3A_55 = arith.constant 0 : i32
        %dma_wait3A_56 = tpu.memref_slice %arg12[%dma_wait3A, %dma_wait3A_55] : memref<79x128xi32, #tpu.memory_space<vmem>> -> memref<51x128xi32, #tpu.memory_space<vmem>>
        %dma_wait3A_57 = arith.constant 0 : i32
        %dma_wait3A_58 = tpu.memref_slice %arg6[%run_scoped3A_42, %mul3A_6, %dma_wait3A_57] : memref<2x2500x128xi32, #tpu.memory_space<hbm>> -> memref<1x51x128xi32, #tpu.memory_space<hbm>>
        %dma_wait3A_59 = tpu.memref_squeeze %dma_wait3A_58 : memref<1x51x128xi32, #tpu.memory_space<hbm>> -> memref<51x128xi32, #tpu.memory_space<hbm>>
        %dma_wait3A_60 = arith.constant 0 : i32
        %dma_wait3A_61 = arith.constant 0 : i32
        %dma_wait3A_62 = tpu.memref_slice %arg12[%dma_wait3A_60, %dma_wait3A_61] : memref<79x128xi32, #tpu.memory_space<vmem>> -> memref<51x128xi32, #tpu.memory_space<vmem>>
        %dma_wait3A_63 = arith.constant 0 : i32
        %dma_wait3A_64 = tpu.memref_slice %arg6[%run_scoped3A_42, %mul3A_6, %dma_wait3A_63] : memref<2x2500x128xi32, #tpu.memory_space<hbm>> -> memref<1x51x128xi32, #tpu.memory_space<hbm>>
        %dma_wait3A_65 = tpu.memref_squeeze %dma_wait3A_64 : memref<1x51x128xi32, #tpu.memory_space<hbm>> -> memref<51x128xi32, #tpu.memory_space<hbm>>
        tpu.wait_dma2 semaphore(%run_scoped3A_43 : memref<!tpu.dma_semaphore, #tpu.memory_space<semaphore_mem>>) src(%dma_wait3A_65 : memref<51x128xi32, #tpu.memory_space<hbm>>) dst(%dma_wait3A_62 : memref<51x128xi32, #tpu.memory_space<vmem>>)
        tpu.yield
      }) : () -> ()
    } else {
    }
    %mul3A_14 = arith.constant 79 : i32
    %mul3A_15 = arith.muli %add3A, %mul3A_14 : i32
    %lt3A_16 = arith.constant 31 : i32
    %lt3A_17 = arith.cmpi slt, %add3A, %lt3A_16 : i32
    %convert_element_type3A_18 = arith.extui %lt3A_17 : i1 to i32
    %cond3A_19 = arith.constant 0 : i32
    %cond3A_20 = arith.cmpi ne, %convert_element_type3A_18, %cond3A_19 : i32
    scf.if %cond3A_20 {
      %run_scoped3A_42 = arith.constant 1 : i32
      "tpu.region"() ({
        %run_scoped3A_43 = tpu.sem_alloc : memref<!tpu.dma_semaphore, #tpu.memory_space<semaphore_mem>>
        %dma_start3A = arith.constant 0 : i32
        %dma_start3A_44 = tpu.memref_slice %arg6[%run_scoped3A_42, %mul3A_15, %dma_start3A] : memref<2x2500x128xi32, #tpu.memory_space<hbm>> -> memref<1x79x128xi32, #tpu.memory_space<hbm>>
        %dma_start3A_45 = tpu.memref_squeeze %dma_start3A_44 : memref<1x79x128xi32, #tpu.memory_space<hbm>> -> memref<79x128xi32, #tpu.memory_space<hbm>>
        %dma_start3A_46 = arith.constant 0 : i32
        %dma_start3A_47 = tpu.memref_slice %arg6[%run_scoped3A_42, %mul3A_15, %dma_start3A_46] : memref<2x2500x128xi32, #tpu.memory_space<hbm>> -> memref<1x79x128xi32, #tpu.memory_space<hbm>>
        %dma_start3A_48 = tpu.memref_squeeze %dma_start3A_47 : memref<1x79x128xi32, #tpu.memory_space<hbm>> -> memref<79x128xi32, #tpu.memory_space<hbm>>
        tpu.enqueue_dma source(%dma_start3A_48 : memref<79x128xi32, #tpu.memory_space<hbm>>) target(%arg13 : memref<79x128xi32, #tpu.memory_space<vmem>>) target_semaphore(%run_scoped3A_43 : memref<!tpu.dma_semaphore, #tpu.memory_space<semaphore_mem>>)
        %dma_wait3A = arith.constant 0 : i32
        %dma_wait3A_49 = tpu.memref_slice %arg6[%run_scoped3A_42, %mul3A_15, %dma_wait3A] : memref<2x2500x128xi32, #tpu.memory_space<hbm>> -> memref<1x79x128xi32, #tpu.memory_space<hbm>>
        %dma_wait3A_50 = tpu.memref_squeeze %dma_wait3A_49 : memref<1x79x128xi32, #tpu.memory_space<hbm>> -> memref<79x128xi32, #tpu.memory_space<hbm>>
        %dma_wait3A_51 = arith.constant 0 : i32
        %dma_wait3A_52 = tpu.memref_slice %arg6[%run_scoped3A_42, %mul3A_15, %dma_wait3A_51] : memref<2x2500x128xi32, #tpu.memory_space<hbm>> -> memref<1x79x128xi32, #tpu.memory_space<hbm>>
        %dma_wait3A_53 = tpu.memref_squeeze %dma_wait3A_52 : memref<1x79x128xi32, #tpu.memory_space<hbm>> -> memref<79x128xi32, #tpu.memory_space<hbm>>
        tpu.wait_dma2 semaphore(%run_scoped3A_43 : memref<!tpu.dma_semaphore, #tpu.memory_space<semaphore_mem>>) src(%dma_wait3A_53 : memref<79x128xi32, #tpu.memory_space<hbm>>) dst(%arg13 : memref<79x128xi32, #tpu.memory_space<vmem>>)
        tpu.yield
      }) : () -> ()
    } else {
    }
    %eq3A_21 = arith.constant 31 : i32
    %eq3A_22 = arith.cmpi eq, %add3A, %eq3A_21 : i32
    %convert_element_type3A_23 = arith.extui %eq3A_22 : i1 to i32
    %cond3A_24 = arith.constant 0 : i32
    %cond3A_25 = arith.cmpi ne, %convert_element_type3A_23, %cond3A_24 : i32
    scf.if %cond3A_25 {
      %run_scoped3A_42 = arith.constant 1 : i32
      "tpu.region"() ({
        %run_scoped3A_43 = tpu.sem_alloc : memref<!tpu.dma_semaphore, #tpu.memory_space<semaphore_mem>>
        %dma_start3A = arith.constant 0 : i32
        %dma_start3A_44 = arith.constant 0 : i32
        %dma_start3A_45 = tpu.memref_slice %arg13[%dma_start3A, %dma_start3A_44] : memref<79x128xi32, #tpu.memory_space<vmem>> -> memref<51x128xi32, #tpu.memory_space<vmem>>
        %dma_start3A_46 = arith.constant 0 : i32
        %dma_start3A_47 = tpu.memref_slice %arg6[%run_scoped3A_42, %mul3A_15, %dma_start3A_46] : memref<2x2500x128xi32, #tpu.memory_space<hbm>> -> memref<1x51x128xi32, #tpu.memory_space<hbm>>
        %dma_start3A_48 = tpu.memref_squeeze %dma_start3A_47 : memref<1x51x128xi32, #tpu.memory_space<hbm>> -> memref<51x128xi32, #tpu.memory_space<hbm>>
        %dma_start3A_49 = arith.constant 0 : i32
        %dma_start3A_50 = arith.constant 0 : i32
        %dma_start3A_51 = tpu.memref_slice %arg13[%dma_start3A_49, %dma_start3A_50] : memref<79x128xi32, #tpu.memory_space<vmem>> -> memref<51x128xi32, #tpu.memory_space<vmem>>
        %dma_start3A_52 = arith.constant 0 : i32
        %dma_start3A_53 = tpu.memref_slice %arg6[%run_scoped3A_42, %mul3A_15, %dma_start3A_52] : memref<2x2500x128xi32, #tpu.memory_space<hbm>> -> memref<1x51x128xi32, #tpu.memory_space<hbm>>
        %dma_start3A_54 = tpu.memref_squeeze %dma_start3A_53 : memref<1x51x128xi32, #tpu.memory_space<hbm>> -> memref<51x128xi32, #tpu.memory_space<hbm>>
        tpu.enqueue_dma source(%dma_start3A_54 : memref<51x128xi32, #tpu.memory_space<hbm>>) target(%dma_start3A_51 : memref<51x128xi32, #tpu.memory_space<vmem>>) target_semaphore(%run_scoped3A_43 : memref<!tpu.dma_semaphore, #tpu.memory_space<semaphore_mem>>)
        %dma_wait3A = arith.constant 0 : i32
        %dma_wait3A_55 = arith.constant 0 : i32
        %dma_wait3A_56 = tpu.memref_slice %arg13[%dma_wait3A, %dma_wait3A_55] : memref<79x128xi32, #tpu.memory_space<vmem>> -> memref<51x128xi32, #tpu.memory_space<vmem>>
        %dma_wait3A_57 = arith.constant 0 : i32
        %dma_wait3A_58 = tpu.memref_slice %arg6[%run_scoped3A_42, %mul3A_15, %dma_wait3A_57] : memref<2x2500x128xi32, #tpu.memory_space<hbm>> -> memref<1x51x128xi32, #tpu.memory_space<hbm>>
        %dma_wait3A_59 = tpu.memref_squeeze %dma_wait3A_58 : memref<1x51x128xi32, #tpu.memory_space<hbm>> -> memref<51x128xi32, #tpu.memory_space<hbm>>
        %dma_wait3A_60 = arith.constant 0 : i32
        %dma_wait3A_61 = arith.constant 0 : i32
        %dma_wait3A_62 = tpu.memref_slice %arg13[%dma_wait3A_60, %dma_wait3A_61] : memref<79x128xi32, #tpu.memory_space<vmem>> -> memref<51x128xi32, #tpu.memory_space<vmem>>
        %dma_wait3A_63 = arith.constant 0 : i32
        %dma_wait3A_64 = tpu.memref_slice %arg6[%run_scoped3A_42, %mul3A_15, %dma_wait3A_63] : memref<2x2500x128xi32, #tpu.memory_space<hbm>> -> memref<1x51x128xi32, #tpu.memory_space<hbm>>
        %dma_wait3A_65 = tpu.memref_squeeze %dma_wait3A_64 : memref<1x51x128xi32, #tpu.memory_space<hbm>> -> memref<51x128xi32, #tpu.memory_space<hbm>>
        tpu.wait_dma2 semaphore(%run_scoped3A_43 : memref<!tpu.dma_semaphore, #tpu.memory_space<semaphore_mem>>) src(%dma_wait3A_65 : memref<51x128xi32, #tpu.memory_space<hbm>>) dst(%dma_wait3A_62 : memref<51x128xi32, #tpu.memory_space<vmem>>)
        tpu.yield
      }) : () -> ()
    } else {
    }
    "tpu.region"() ({
      %run_scoped3A_42 = tpu.sem_alloc : memref<!tpu.dma_semaphore, #tpu.memory_space<semaphore_mem>>
      %dma_start3A = arith.constant 0 : i32
      %dma_start3A_43 = tpu.memref_slice %arg10[%mul3A_4, %dma_start3A] : memref<10112x16xf32, #tpu.memory_space<vmem_shared>> -> memref<632x16xf32, #tpu.memory_space<vmem_shared>>
      %dma_start3A_44 = arith.constant 0 : i32
      %dma_start3A_45 = tpu.memref_slice %arg7[%mul3A_4, %dma_start3A_44] : memref<10112x16xf32, #tpu.memory_space<hbm>> -> memref<632x16xf32, #tpu.memory_space<hbm>>
      tpu.enqueue_dma source(%dma_start3A_45 : memref<632x16xf32, #tpu.memory_space<hbm>>) target(%dma_start3A_43 : memref<632x16xf32, #tpu.memory_space<vmem_shared>>) target_semaphore(%run_scoped3A_42 : memref<!tpu.dma_semaphore, #tpu.memory_space<semaphore_mem>>)
      %dma_wait3A = arith.constant 0 : i32
      %dma_wait3A_46 = tpu.memref_slice %arg10[%mul3A_4, %dma_wait3A] : memref<10112x16xf32, #tpu.memory_space<vmem_shared>> -> memref<632x16xf32, #tpu.memory_space<vmem_shared>>
      %dma_wait3A_47 = arith.constant 0 : i32
      %dma_wait3A_48 = tpu.memref_slice %arg7[%mul3A_4, %dma_wait3A_47] : memref<10112x16xf32, #tpu.memory_space<hbm>> -> memref<632x16xf32, #tpu.memory_space<hbm>>
      tpu.wait_dma2 semaphore(%run_scoped3A_42 : memref<!tpu.dma_semaphore, #tpu.memory_space<semaphore_mem>>) src(%dma_wait3A_48 : memref<632x16xf32, #tpu.memory_space<hbm>>) dst(%dma_wait3A_46 : memref<632x16xf32, #tpu.memory_space<vmem_shared>>)
      tpu.yield
    }) : () -> ()
    %run_scoped3A = arith.constant 0 : i32
    "tpu.region"() ({
      %run_scoped3A_42 = tpu.sem_alloc : memref<!tpu.dma_semaphore, #tpu.memory_space<semaphore_mem>>
      %dma_start3A = arith.constant 0 : i32
      %dma_start3A_43 = tpu.memref_slice %arg2[%run_scoped3A, %mul3A_4, %dma_start3A] : memref<2x10112x16xf32, #tpu.memory_space<hbm>> -> memref<1x632x16xf32, #tpu.memory_space<hbm>>
      %dma_start3A_44 = tpu.memref_squeeze %dma_start3A_43 : memref<1x632x16xf32, #tpu.memory_space<hbm>> -> memref<632x16xf32, #tpu.memory_space<hbm>>
      %dma_start3A_45 = arith.constant 0 : i32
      %dma_start3A_46 = tpu.memref_slice %arg2[%run_scoped3A, %mul3A_4, %dma_start3A_45] : memref<2x10112x16xf32, #tpu.memory_space<hbm>> -> memref<1x632x16xf32, #tpu.memory_space<hbm>>
      %dma_start3A_47 = tpu.memref_squeeze %dma_start3A_46 : memref<1x632x16xf32, #tpu.memory_space<hbm>> -> memref<632x16xf32, #tpu.memory_space<hbm>>
      tpu.enqueue_dma source(%dma_start3A_47 : memref<632x16xf32, #tpu.memory_space<hbm>>) target(%arg15 : memref<632x16xf32, #tpu.memory_space<vmem>>) target_semaphore(%run_scoped3A_42 : memref<!tpu.dma_semaphore, #tpu.memory_space<semaphore_mem>>)
      %dma_wait3A = arith.constant 0 : i32
      %dma_wait3A_48 = tpu.memref_slice %arg2[%run_scoped3A, %mul3A_4, %dma_wait3A] : memref<2x10112x16xf32, #tpu.memory_space<hbm>> -> memref<1x632x16xf32, #tpu.memory_space<hbm>>
      %dma_wait3A_49 = tpu.memref_squeeze %dma_wait3A_48 : memref<1x632x16xf32, #tpu.memory_space<hbm>> -> memref<632x16xf32, #tpu.memory_space<hbm>>
      %dma_wait3A_50 = arith.constant 0 : i32
      %dma_wait3A_51 = tpu.memref_slice %arg2[%run_scoped3A, %mul3A_4, %dma_wait3A_50] : memref<2x10112x16xf32, #tpu.memory_space<hbm>> -> memref<1x632x16xf32, #tpu.memory_space<hbm>>
      %dma_wait3A_52 = tpu.memref_squeeze %dma_wait3A_51 : memref<1x632x16xf32, #tpu.memory_space<hbm>> -> memref<632x16xf32, #tpu.memory_space<hbm>>
      tpu.wait_dma2 semaphore(%run_scoped3A_42 : memref<!tpu.dma_semaphore, #tpu.memory_space<semaphore_mem>>) src(%dma_wait3A_52 : memref<632x16xf32, #tpu.memory_space<hbm>>) dst(%arg15 : memref<632x16xf32, #tpu.memory_space<vmem>>)
      tpu.yield
    }) : () -> ()
    %run_scoped3A_26 = arith.constant 1 : i32
    "tpu.region"() ({
      %run_scoped3A_42 = tpu.sem_alloc : memref<!tpu.dma_semaphore, #tpu.memory_space<semaphore_mem>>
      %dma_start3A = arith.constant 0 : i32
      %dma_start3A_43 = tpu.memref_slice %arg2[%run_scoped3A_26, %mul3A_4, %dma_start3A] : memref<2x10112x16xf32, #tpu.memory_space<hbm>> -> memref<1x632x16xf32, #tpu.memory_space<hbm>>
      %dma_start3A_44 = tpu.memref_squeeze %dma_start3A_43 : memref<1x632x16xf32, #tpu.memory_space<hbm>> -> memref<632x16xf32, #tpu.memory_space<hbm>>
      %dma_start3A_45 = arith.constant 0 : i32
      %dma_start3A_46 = tpu.memref_slice %arg2[%run_scoped3A_26, %mul3A_4, %dma_start3A_45] : memref<2x10112x16xf32, #tpu.memory_space<hbm>> -> memref<1x632x16xf32, #tpu.memory_space<hbm>>
      %dma_start3A_47 = tpu.memref_squeeze %dma_start3A_46 : memref<1x632x16xf32, #tpu.memory_space<hbm>> -> memref<632x16xf32, #tpu.memory_space<hbm>>
      tpu.enqueue_dma source(%dma_start3A_47 : memref<632x16xf32, #tpu.memory_space<hbm>>) target(%arg16 : memref<632x16xf32, #tpu.memory_space<vmem>>) target_semaphore(%run_scoped3A_42 : memref<!tpu.dma_semaphore, #tpu.memory_space<semaphore_mem>>)
      %dma_wait3A = arith.constant 0 : i32
      %dma_wait3A_48 = tpu.memref_slice %arg2[%run_scoped3A_26, %mul3A_4, %dma_wait3A] : memref<2x10112x16xf32, #tpu.memory_space<hbm>> -> memref<1x632x16xf32, #tpu.memory_space<hbm>>
      %dma_wait3A_49 = tpu.memref_squeeze %dma_wait3A_48 : memref<1x632x16xf32, #tpu.memory_space<hbm>> -> memref<632x16xf32, #tpu.memory_space<hbm>>
      %dma_wait3A_50 = arith.constant 0 : i32
      %dma_wait3A_51 = tpu.memref_slice %arg2[%run_scoped3A_26, %mul3A_4, %dma_wait3A_50] : memref<2x10112x16xf32, #tpu.memory_space<hbm>> -> memref<1x632x16xf32, #tpu.memory_space<hbm>>
      %dma_wait3A_52 = tpu.memref_squeeze %dma_wait3A_51 : memref<1x632x16xf32, #tpu.memory_space<hbm>> -> memref<632x16xf32, #tpu.memory_space<hbm>>
      tpu.wait_dma2 semaphore(%run_scoped3A_42 : memref<!tpu.dma_semaphore, #tpu.memory_space<semaphore_mem>>) src(%dma_wait3A_52 : memref<632x16xf32, #tpu.memory_space<hbm>>) dst(%arg16 : memref<632x16xf32, #tpu.memory_space<vmem>>)
      tpu.yield
    }) : () -> ()
    "tpu.region"() ({
      %run_scoped3A_42 = tpu.sem_alloc : memref<!tpu.dma_semaphore, #tpu.memory_space<semaphore_mem>>
      %dma_start3A = arith.constant 0 : i32
      %dma_start3A_43 = tpu.memref_slice %arg3[%mul3A_4, %dma_start3A] : memref<10112x16xf32, #tpu.memory_space<hbm>> -> memref<632x16xf32, #tpu.memory_space<hbm>>
      %dma_start3A_44 = arith.constant 0 : i32
      %dma_start3A_45 = tpu.memref_slice %arg3[%mul3A_4, %dma_start3A_44] : memref<10112x16xf32, #tpu.memory_space<hbm>> -> memref<632x16xf32, #tpu.memory_space<hbm>>
      tpu.enqueue_dma source(%dma_start3A_45 : memref<632x16xf32, #tpu.memory_space<hbm>>) target(%arg17 : memref<632x16xf32, #tpu.memory_space<vmem>>) target_semaphore(%run_scoped3A_42 : memref<!tpu.dma_semaphore, #tpu.memory_space<semaphore_mem>>)
      %dma_wait3A = arith.constant 0 : i32
      %dma_wait3A_46 = tpu.memref_slice %arg3[%mul3A_4, %dma_wait3A] : memref<10112x16xf32, #tpu.memory_space<hbm>> -> memref<632x16xf32, #tpu.memory_space<hbm>>
      %dma_wait3A_47 = arith.constant 0 : i32
      %dma_wait3A_48 = tpu.memref_slice %arg3[%mul3A_4, %dma_wait3A_47] : memref<10112x16xf32, #tpu.memory_space<hbm>> -> memref<632x16xf32, #tpu.memory_space<hbm>>
      tpu.wait_dma2 semaphore(%run_scoped3A_42 : memref<!tpu.dma_semaphore, #tpu.memory_space<semaphore_mem>>) src(%dma_wait3A_48 : memref<632x16xf32, #tpu.memory_space<hbm>>) dst(%arg17 : memref<632x16xf32, #tpu.memory_space<vmem>>)
      tpu.yield
    }) : () -> ()
    "tpu.region"() ({
      %run_scoped3A_42 = tpu.sem_alloc : memref<!tpu.dma_semaphore, #tpu.memory_space<semaphore_mem>>
      %dma_start3A = arith.constant 0 : i32
      %dma_start3A_43 = tpu.memref_slice %arg4[%mul3A_4, %dma_start3A] : memref<10112x16xf32, #tpu.memory_space<hbm>> -> memref<632x16xf32, #tpu.memory_space<hbm>>
      %dma_start3A_44 = arith.constant 0 : i32
      %dma_start3A_45 = tpu.memref_slice %arg4[%mul3A_4, %dma_start3A_44] : memref<10112x16xf32, #tpu.memory_space<hbm>> -> memref<632x16xf32, #tpu.memory_space<hbm>>
      tpu.enqueue_dma source(%dma_start3A_45 : memref<632x16xf32, #tpu.memory_space<hbm>>) target(%arg18 : memref<632x16xf32, #tpu.memory_space<vmem>>) target_semaphore(%run_scoped3A_42 : memref<!tpu.dma_semaphore, #tpu.memory_space<semaphore_mem>>)
      %dma_wait3A = arith.constant 0 : i32
      %dma_wait3A_46 = tpu.memref_slice %arg4[%mul3A_4, %dma_wait3A] : memref<10112x16xf32, #tpu.memory_space<hbm>> -> memref<632x16xf32, #tpu.memory_space<hbm>>
      %dma_wait3A_47 = arith.constant 0 : i32
      %dma_wait3A_48 = tpu.memref_slice %arg4[%mul3A_4, %dma_wait3A_47] : memref<10112x16xf32, #tpu.memory_space<hbm>> -> memref<632x16xf32, #tpu.memory_space<hbm>>
      tpu.wait_dma2 semaphore(%run_scoped3A_42 : memref<!tpu.dma_semaphore, #tpu.memory_space<semaphore_mem>>) src(%dma_wait3A_48 : memref<632x16xf32, #tpu.memory_space<hbm>>) dst(%arg18 : memref<632x16xf32, #tpu.memory_space<vmem>>)
      tpu.yield
    }) : () -> ()
    "tpu.region"() ({
      %run_scoped3A_42 = tpu.sem_alloc : memref<!tpu.dma_semaphore, #tpu.memory_space<semaphore_mem>>
      tpu.enqueue_dma source(%arg5 : memref<2x16xf32, #tpu.memory_space<hbm>>) target(%arg19 : memref<2x16xf32, #tpu.memory_space<vmem>>) target_semaphore(%run_scoped3A_42 : memref<!tpu.dma_semaphore, #tpu.memory_space<semaphore_mem>>)
      tpu.wait_dma2 semaphore(%run_scoped3A_42 : memref<!tpu.dma_semaphore, #tpu.memory_space<semaphore_mem>>) src(%arg5 : memref<2x16xf32, #tpu.memory_space<hbm>>) dst(%arg19 : memref<2x16xf32, #tpu.memory_space<vmem>>)
      tpu.yield
    }) : () -> ()
    %scan3A = arith.constant 0 : i32
    %scan3A_27 = arith.constant 632 : i32
    %scan3A_28 = arith.addi %scan3A, %scan3A_27 : i32
    %scan3A_29 = arith.constant 1 : i32
    scf.for %scan3A_42 = %scan3A to %scan3A_28 step %scan3A_29  : i32 {
      %mul3A_43 = arith.constant 1 : i32
      %mul3A_44 = arith.muli %scan3A_42, %mul3A_43 : i32
      %add3A_45 = arith.constant 0 : i32
      %add3A_46 = arith.addi %add3A_45, %mul3A_44 : i32
      %get3A = arith.index_cast %add3A_46 : i32 to index
      %get3A_47 = arith.constant 0 : index
      %get3A_48 = tpu.vector_load %arg18[%get3A, %get3A_47] {strides = array<i32>} : memref<632x16xf32, #tpu.memory_space<vmem>>, vector<16xf32>,
      %get3A_49 = arith.index_cast %add3A_46 : i32 to index
      %get3A_50 = arith.constant 0 : index
      %get3A_51 = tpu.vector_load %arg15[%get3A_49, %get3A_50] {strides = array<i32>} : memref<632x16xf32, #tpu.memory_space<vmem>>, vector<16xf32>,
      %get3A_52 = arith.index_cast %add3A_46 : i32 to index
      %get3A_53 = arith.constant 0 : index
      %get3A_54 = tpu.vector_load %arg16[%get3A_52, %get3A_53] {strides = array<i32>} : memref<632x16xf32, #tpu.memory_space<vmem>>, vector<16xf32>,
      %add3A_55 = arith.addf %get3A_51, %get3A_54 : vector<16xf32>
      %get3A_56 = arith.index_cast %add3A_46 : i32 to index
      %get3A_57 = arith.constant 0 : index
      %get3A_58 = tpu.vector_load %arg17[%get3A_56, %get3A_57] {strides = array<i32>} : memref<632x16xf32, #tpu.memory_space<vmem>>, vector<16xf32>,
      %add3A_59 = arith.addf %add3A_55, %get3A_58 : vector<16xf32>
      %mul3A_60 = arith.mulf %add3A_59, %get3A_48 : vector<16xf32>
      %max3A = arith.constant 0.000000e+00 : f32
      %max3A_61 = vector.broadcast %max3A : f32 to vector<16xf32>
      %max3A_62 = arith.maximumf %mul3A_60, %max3A_61 : vector<16xf32>
      %get3A_63 = arith.constant 0 : i32
      %get3A_64 = arith.index_cast %get3A_63 : i32 to index
      %get3A_65 = arith.constant 0 : index
      %get3A_66 = tpu.vector_load %arg19[%get3A_64, %get3A_65] {strides = array<i32>} : memref<2x16xf32, #tpu.memory_space<vmem>>, vector<16xf32>,
      %mul3A_67 = arith.mulf %max3A_62, %get3A_66 : vector<16xf32>
      %get3A_68 = arith.constant 1 : i32
      %get3A_69 = arith.index_cast %get3A_68 : i32 to index
      %get3A_70 = arith.constant 0 : index
      %get3A_71 = tpu.vector_load %arg19[%get3A_69, %get3A_70] {strides = array<i32>} : memref<2x16xf32, #tpu.memory_space<vmem>>, vector<16xf32>,
      %add3A_72 = arith.addf %mul3A_67, %get3A_71 : vector<16xf32>
      %mul3A_73 = arith.mulf %add3A_72, %get3A_48 : vector<16xf32>
      %swap3A = arith.index_cast %add3A_46 : i32 to index
      %swap3A_74 = arith.constant 0 : index
      %swap3A_75 = tpu.vector_load %arg15[%swap3A, %swap3A_74] {strides = array<i32>} : memref<632x16xf32, #tpu.memory_space<vmem>>, vector<16xf32>,
      tpu.vector_store %arg15[%swap3A, %swap3A_74], %mul3A_73 {strides = array<i32>} : memref<632x16xf32, #tpu.memory_space<vmem>>, vector<16xf32>,
    }
    %scan3A_30 = arith.constant 632 : i32
    "tpu.region"() ({
      %run_scoped3A_42 = tpu.sem_alloc : memref<!tpu.dma_semaphore, #tpu.memory_space<semaphore_mem>>
      %dma_start3A = arith.constant 0 : i32
      %dma_start3A_43 = tpu.memref_slice %arg11[%mul3A_4, %dma_start3A] : memref<10112x16xf32, #tpu.memory_space<vmem_shared>> -> memref<632x16xf32, #tpu.memory_space<vmem_shared>>
      %dma_start3A_44 = arith.constant 0 : i32
      %dma_start3A_45 = tpu.memref_slice %arg11[%mul3A_4, %dma_start3A_44] : memref<10112x16xf32, #tpu.memory_space<vmem_shared>> -> memref<632x16xf32, #tpu.memory_space<vmem_shared>>
      tpu.enqueue_dma source(%arg15 : memref<632x16xf32, #tpu.memory_space<vmem>>) target(%dma_start3A_45 : memref<632x16xf32, #tpu.memory_space<vmem_shared>>) target_semaphore(%run_scoped3A_42 : memref<!tpu.dma_semaphore, #tpu.memory_space<semaphore_mem>>)
      %dma_wait3A = arith.constant 0 : i32
      %dma_wait3A_46 = tpu.memref_slice %arg11[%mul3A_4, %dma_wait3A] : memref<10112x16xf32, #tpu.memory_space<vmem_shared>> -> memref<632x16xf32, #tpu.memory_space<vmem_shared>>
      %dma_wait3A_47 = arith.constant 0 : i32
      %dma_wait3A_48 = tpu.memref_slice %arg11[%mul3A_4, %dma_wait3A_47] : memref<10112x16xf32, #tpu.memory_space<vmem_shared>> -> memref<632x16xf32, #tpu.memory_space<vmem_shared>>
      tpu.wait_dma2 semaphore(%run_scoped3A_42 : memref<!tpu.dma_semaphore, #tpu.memory_space<semaphore_mem>>) src(%arg15 : memref<632x16xf32, #tpu.memory_space<vmem>>) dst(%dma_wait3A_48 : memref<632x16xf32, #tpu.memory_space<vmem_shared>>)
      tpu.yield
    }) : () -> ()
    %eq3A_31 = arith.constant 0 : i32
    %eq3A_32 = arith.cmpi eq, %arg0, %eq3A_31 : i32
    %convert_element_type3A_33 = arith.extui %eq3A_32 : i1 to i32
    %cond3A_34 = arith.constant 0 : i32
    %cond3A_35 = arith.cmpi ne, %convert_element_type3A_33, %cond3A_34 : i32
    scf.if %cond3A_35 {
      "tpu.region"() ({
        %run_scoped3A_42 = tpu.sem_alloc : memref<!tpu.dma_semaphore, #tpu.memory_space<semaphore_mem>>
        %dma_start3A = arith.constant 0 : i32
        %dma_start3A_43 = tpu.memref_slice %arg9[%mul3A_4, %dma_start3A] : memref<10112x16xf32, #tpu.memory_space<hbm>> -> memref<632x16xf32, #tpu.memory_space<hbm>>
        %dma_start3A_44 = arith.constant 0 : i32
        %dma_start3A_45 = tpu.memref_slice %arg9[%mul3A_4, %dma_start3A_44] : memref<10112x16xf32, #tpu.memory_space<hbm>> -> memref<632x16xf32, #tpu.memory_space<hbm>>
        tpu.enqueue_dma source(%arg15 : memref<632x16xf32, #tpu.memory_space<vmem>>) target(%dma_start3A_45 : memref<632x16xf32, #tpu.memory_space<hbm>>) target_semaphore(%run_scoped3A_42 : memref<!tpu.dma_semaphore, #tpu.memory_space<semaphore_mem>>)
        %dma_wait3A = arith.constant 0 : i32
        %dma_wait3A_46 = tpu.memref_slice %arg9[%mul3A_4, %dma_wait3A] : memref<10112x16xf32, #tpu.memory_space<hbm>> -> memref<632x16xf32, #tpu.memory_space<hbm>>
        %dma_wait3A_47 = arith.constant 0 : i32
        %dma_wait3A_48 = tpu.memref_slice %arg9[%mul3A_4, %dma_wait3A_47] : memref<10112x16xf32, #tpu.memory_space<hbm>> -> memref<632x16xf32, #tpu.memory_space<hbm>>
        tpu.wait_dma2 semaphore(%run_scoped3A_42 : memref<!tpu.dma_semaphore, #tpu.memory_space<semaphore_mem>>) src(%arg15 : memref<632x16xf32, #tpu.memory_space<vmem>>) dst(%dma_wait3A_48 : memref<632x16xf32, #tpu.memory_space<hbm>>)
        tpu.yield
      }) : () -> ()
    } else {
    }
    %barrier3A = arith.constant 0 : index
    tpu.barrier barrier_id(%barrier3A)
    %scan3A_36 = arith.constant 0 : i32
    %scan3A_37 = arith.constant 79 : i32
    %scan3A_38 = arith.addi %scan3A_36, %scan3A_37 : i32
    %scan3A_39 = arith.constant 1 : i32
    scf.for %scan3A_42 = %scan3A_36 to %scan3A_38 step %scan3A_39  : i32 {
      %mul3A_43 = arith.constant 1 : i32
      %mul3A_44 = arith.muli %scan3A_42, %mul3A_43 : i32
      %add3A_45 = arith.constant 0 : i32
      %add3A_46 = arith.addi %add3A_45, %mul3A_44 : i32
      %lt3A_47 = arith.cmpi slt, %add3A_46, %select_n3A : i32
      %convert_element_type3A_48 = arith.extui %lt3A_47 : i1 to i32
      %cond3A_49 = arith.constant 0 : i32
      %cond3A_50 = arith.cmpi ne, %convert_element_type3A_48, %cond3A_49 : i32
      scf.if %cond3A_50 {
        "tpu.region"() ({
          %run_scoped3A_51 = tpu.sem_alloc : memref<!tpu.dma_semaphore, #tpu.memory_space<semaphore_mem>>
          %dma_start3A = arith.constant 0 : i32
          %dma_start3A_52 = tpu.memref_slice %arg12[%add3A_46, %dma_start3A] : memref<79x128xi32, #tpu.memory_space<vmem>> -> memref<1x128xi32, #tpu.memory_space<vmem>>
          %dma_start3A_53 = tpu.memref_squeeze %dma_start3A_52 : memref<1x128xi32, #tpu.memory_space<vmem>> -> memref<128xi32, #tpu.memory_space<vmem>>
          %dma_start3A_54 = arith.constant 0 : i32
          %dma_start3A_55 = arith.constant 0 : i32
          %dma_start3A_56 = tpu.memref_slice %arg11[%dma_start3A_54, %dma_start3A_55] : memref<10112x16xf32, #tpu.memory_space<vmem_shared>> -> memref<10112x16xf32, #tpu.memory_space<vmem_shared>>
          tpu.enqueue_indirect_dma source(%dma_start3A_56 : memref<10112x16xf32, #tpu.memory_space<vmem_shared>>) target(%arg14 : memref<128x16xf32, #tpu.memory_space<vmem>>) offsets(%dma_start3A_53 : memref<128xi32, #tpu.memory_space<vmem>>) semaphore(%run_scoped3A_51 : memref<!tpu.dma_semaphore, #tpu.memory_space<semaphore_mem>>)
          %dma_wait3A = arith.constant 0 : i32
          %dma_wait3A_57 = tpu.memref_slice %arg12[%add3A_46, %dma_wait3A] : memref<79x128xi32, #tpu.memory_space<vmem>> -> memref<1x128xi32, #tpu.memory_space<vmem>>
          %dma_wait3A_58 = tpu.memref_squeeze %dma_wait3A_57 : memref<1x128xi32, #tpu.memory_space<vmem>> -> memref<128xi32, #tpu.memory_space<vmem>>
          %dma_wait3A_59 = arith.constant 0 : i32
          %dma_wait3A_60 = arith.constant 0 : i32
          %dma_wait3A_61 = tpu.memref_slice %arg11[%dma_wait3A_59, %dma_wait3A_60] : memref<10112x16xf32, #tpu.memory_space<vmem_shared>> -> memref<10112x16xf32, #tpu.memory_space<vmem_shared>>
          tpu.wait_indirect_dma semaphore(%run_scoped3A_51 : memref<!tpu.dma_semaphore, #tpu.memory_space<semaphore_mem>>) src(%dma_wait3A_61 : memref<10112x16xf32, #tpu.memory_space<vmem_shared>>) dst(%arg14 : memref<128x16xf32, #tpu.memory_space<vmem>>)
          tpu.yield
        }) : () -> ()
        "tpu.region"() ({
          %run_scoped3A_51 = tpu.sem_alloc : memref<!tpu.dma_semaphore, #tpu.memory_space<semaphore_mem>>
          %dma_start3A = arith.constant 0 : i32
          %dma_start3A_52 = tpu.memref_slice %arg13[%add3A_46, %dma_start3A] : memref<79x128xi32, #tpu.memory_space<vmem>> -> memref<1x128xi32, #tpu.memory_space<vmem>>
          %dma_start3A_53 = tpu.memref_squeeze %dma_start3A_52 : memref<1x128xi32, #tpu.memory_space<vmem>> -> memref<128xi32, #tpu.memory_space<vmem>>
          %dma_start3A_54 = arith.constant 0 : i32
          %dma_start3A_55 = arith.constant 0 : i32
          %dma_start3A_56 = tpu.memref_slice %arg10[%dma_start3A_54, %dma_start3A_55] : memref<10112x16xf32, #tpu.memory_space<vmem_shared>> -> memref<10112x16xf32, #tpu.memory_space<vmem_shared>>
          tpu.enqueue_indirect_dma source(%arg14 : memref<128x16xf32, #tpu.memory_space<vmem>>) target(%dma_start3A_56 : memref<10112x16xf32, #tpu.memory_space<vmem_shared>>) offsets(%dma_start3A_53 : memref<128xi32, #tpu.memory_space<vmem>>) semaphore(%run_scoped3A_51 : memref<!tpu.dma_semaphore, #tpu.memory_space<semaphore_mem>>) {add = true}
          %dma_wait3A = arith.constant 0 : i32
          %dma_wait3A_57 = tpu.memref_slice %arg13[%add3A_46, %dma_wait3A] : memref<79x128xi32, #tpu.memory_space<vmem>> -> memref<1x128xi32, #tpu.memory_space<vmem>>
          %dma_wait3A_58 = tpu.memref_squeeze %dma_wait3A_57 : memref<1x128xi32, #tpu.memory_space<vmem>> -> memref<128xi32, #tpu.memory_space<vmem>>
          %dma_wait3A_59 = arith.constant 0 : i32
          %dma_wait3A_60 = arith.constant 0 : i32
          %dma_wait3A_61 = tpu.memref_slice %arg10[%dma_wait3A_59, %dma_wait3A_60] : memref<10112x16xf32, #tpu.memory_space<vmem_shared>> -> memref<10112x16xf32, #tpu.memory_space<vmem_shared>>
          tpu.wait_indirect_dma semaphore(%run_scoped3A_51 : memref<!tpu.dma_semaphore, #tpu.memory_space<semaphore_mem>>) src(%arg14 : memref<128x16xf32, #tpu.memory_space<vmem>>) dst(%dma_wait3A_61 : memref<10112x16xf32, #tpu.memory_space<vmem_shared>>)
          tpu.yield
        }) : () -> ()
      } else {
      }
    }
    %scan3A_40 = arith.constant 79 : i32
    %barrier3A_41 = arith.constant 0 : index
    tpu.barrier barrier_id(%barrier3A_41)
    "tpu.region"() ({
      %run_scoped3A_42 = tpu.sem_alloc : memref<!tpu.dma_semaphore, #tpu.memory_space<semaphore_mem>>
      %dma_start3A = arith.constant 0 : i32
      %dma_start3A_43 = tpu.memref_slice %arg8[%arg0, %mul3A_4, %dma_start3A] : memref<2x10112x16xf32, #tpu.memory_space<hbm>> -> memref<1x632x16xf32, #tpu.memory_space<hbm>>
      %dma_start3A_44 = tpu.memref_squeeze %dma_start3A_43 : memref<1x632x16xf32, #tpu.memory_space<hbm>> -> memref<632x16xf32, #tpu.memory_space<hbm>>
      %dma_start3A_45 = arith.constant 0 : i32
      %dma_start3A_46 = tpu.memref_slice %arg10[%mul3A_4, %dma_start3A_45] : memref<10112x16xf32, #tpu.memory_space<vmem_shared>> -> memref<632x16xf32, #tpu.memory_space<vmem_shared>>
      tpu.enqueue_dma source(%dma_start3A_46 : memref<632x16xf32, #tpu.memory_space<vmem_shared>>) target(%dma_start3A_44 : memref<632x16xf32, #tpu.memory_space<hbm>>) target_semaphore(%run_scoped3A_42 : memref<!tpu.dma_semaphore, #tpu.memory_space<semaphore_mem>>)
      %dma_wait3A = arith.constant 0 : i32
      %dma_wait3A_47 = tpu.memref_slice %arg8[%arg0, %mul3A_4, %dma_wait3A] : memref<2x10112x16xf32, #tpu.memory_space<hbm>> -> memref<1x632x16xf32, #tpu.memory_space<hbm>>
      %dma_wait3A_48 = tpu.memref_squeeze %dma_wait3A_47 : memref<1x632x16xf32, #tpu.memory_space<hbm>> -> memref<632x16xf32, #tpu.memory_space<hbm>>
      %dma_wait3A_49 = arith.constant 0 : i32
      %dma_wait3A_50 = tpu.memref_slice %arg10[%mul3A_4, %dma_wait3A_49] : memref<10112x16xf32, #tpu.memory_space<vmem_shared>> -> memref<632x16xf32, #tpu.memory_space<vmem_shared>>
      tpu.wait_dma2 semaphore(%run_scoped3A_42 : memref<!tpu.dma_semaphore, #tpu.memory_space<semaphore_mem>>) src(%dma_wait3A_50 : memref<632x16xf32, #tpu.memory_space<vmem_shared>>) dst(%dma_wait3A_48 : memref<632x16xf32, #tpu.memory_space<hbm>>)
      tpu.yield
    }) : () -> ()
    return
  }
}

module attributes {stable_mosaic.version = 14 : i64} {
  func.func @_tc_mm_body(%arg0: memref<10000x128xf32, #tpu.memory_space<vmem>>, %arg1: memref<128x16xf32, #tpu.memory_space<vmem>>, %arg2: memref<1x16xf32, #tpu.memory_space<vmem>>, %arg3: memref<10112x16xf32, #tpu.memory_space<vmem>>) attributes {dimension_semantics = [], scalar_prefetch = 0 : i64, scratch_operands = 0 : i64, tpu.core_type = #tpu.core_type<tc>} {
    %get3A = arith.constant 0 : index
    %get3A_0 = arith.constant 0 : index
    %get3A_1 = vector.load %arg0[%get3A, %get3A_0] : memref<10000x128xf32, #tpu.memory_space<vmem>>, vector<10000x128xf32>
    %get3A_2 = arith.constant 0 : index
    %get3A_3 = arith.constant 0 : index
    %get3A_4 = vector.load %arg1[%get3A_2, %get3A_3] : memref<128x16xf32, #tpu.memory_space<vmem>>, vector<128x16xf32>
    %dot_general3A = arith.constant dense<0.000000e+00> : vector<10000x16xf32>
    %dot_general3A_5 = tpu.matmul %get3A_1, %get3A_4, %dot_general3A {dimension_numbers = #tpu.dot_dimension_numbers<[1], [0], [0], [1], [0, 0, 1, 1], [], []>, transpose_lhs_hint = false} : vector<10000x128xf32>, vector<128x16xf32>, vector<10000x16xf32> -> vector<10000x16xf32>
    %get3A_6 = arith.constant 0 : index
    %get3A_7 = arith.constant 0 : index
    %get3A_8 = vector.load %arg2[%get3A_6, %get3A_7] : memref<1x16xf32, #tpu.memory_space<vmem>>, vector<1x16xf32>
    %add3A = vector.broadcast %get3A_8 : vector<1x16xf32> to vector<10000x16xf32>
    %add3A_9 = arith.addf %dot_general3A_5, %add3A : vector<10000x16xf32>
    %swap3A = arith.constant 0 : index
    %swap3A_10 = arith.constant 0 : index
    %swap3A_11 = vector.load %arg3[%swap3A, %swap3A_10] : memref<10112x16xf32, #tpu.memory_space<vmem>>, vector<10000x16xf32>
    tpu.vector_store %arg3[%swap3A, %swap3A_10], %add3A_9 {strides = array<i32>} : memref<10112x16xf32, #tpu.memory_space<vmem>>, vector<10000x16xf32>,
    %broadcast_in_dim3A = arith.constant 0.000000e+00 : f32
    %broadcast_in_dim3A_12 = vector.broadcast %broadcast_in_dim3A : f32 to vector<112x16xf32>
    %swap3A_13 = arith.constant 10000 : index
    %swap3A_14 = arith.constant 0 : index
    %swap3A_15 = vector.load %arg3[%swap3A_13, %swap3A_14] : memref<10112x16xf32, #tpu.memory_space<vmem>>, vector<112x16xf32>
    tpu.vector_store %arg3[%swap3A_13, %swap3A_14], %broadcast_in_dim3A_12 {strides = array<i32>} : memref<10112x16xf32, #tpu.memory_space<vmem>>, vector<112x16xf32>,
    return
  }
}

</mosaic_0001>

<sc_bundles>
// kernel: kernel.10.cloned.1.call-start
scs
__scs_entry_jumppad:
0x0: {  	(pc) =	sbr.rel $0x88, $3  }
0x1: {  	(tag) =	ssettag $0x0;
	lr =	simm.s32 $0x1  }
0x2: {  	[smem:$0x3F9B] =	sst lr;
	_ =	strace $0xD0000000  }
0x3: {  	_ = 	snop  }
0x4: {  	_ = 	snop  }
0x5: {  	_ = 	snop  }
0x6: {  	_ = 	snop  }
0x7: {  	_ = 	snop  }
__scs_overlays_trampoline_lowered:
0x8: {  	[smem:$0x3FAA] =	sst s0  }
0x9: {  	[smem:$0x3FAB] =	sst s1  }
0xa: {  	[smem:$0x3FAC] =	sst s2  }
0xb: {  	[smem:$0x3FAD] =	sst s3  }
0xc: {  	[smem:$0x3FAE] =	sst s4  }
0xd: {  	[smem:$0x3FAF] =	sst s5  }
0xe: {  	[smem:$0x3FB0] =	sst s6  }
0xf: {  	[smem:$0x3FB1] =	sst s7  }
0x10: {  	[smem:$0x3FB2] =	sst s8  }
0x11: {  	[smem:$0x3FB3] =	sst s9;
	s0 =	simm.s32 @!p0 $0x0  }
0x12: {  	s1 =	sld [smem:$0x3F99];
	s0 =	simm.s32 @p0 $0x1  }
0x13: {  	[smem:$0x3FB4] =	sst s0;
	s0 =	simm.s32 @!p1 $0x0  }
0x14: {  	s2 =	sld [smem:$0x3F98];
	s0 =	simm.s32 @p1 $0x1  }
0x15: {  	[smem:$0x3FB5] =	sst s0;
	s0 =	simm.s32 @!p2 $0x0  }
0x16: {  	s3 =	sld [smem:$0x3FDB];
	s0 =	simm.s32 @p2 $0x1  }
0x17: {  	s4 =	simm.s32 $0x1BF5;
	[smem:$0x3FB7] =	sst s0  }
0x18: {  	s0 =	sld [smem:$0x3F9A];
	_ =	swait.ge [sflag:s4], $0x0  }
0x19: {  	s7 =	sld [smem:$0x3F9B]  }
0x1a: {  	s8 =	sadd.s32 $0xFFFFE003, lr  }
0x1b: {  	s9 =	sadd.s32 $0xFFFFFEF7, lr;
	s5 =	simm.s32 $0xFFFFFFFF;
	p2 =	slt.u32 s8, $0xFFFFF086  }
0x1c: {  	p1 =	slt.u32 s9, $0xF7A;
	s5 =	simm.s32 @!p2 $0x0  }
0x1d: {  	s5 =	simm.s32 @p1 $0x1;
	p0 =	seq.s32 s7, s2  }
0x1e: {  	s7 =	smul.u32 @!p0 $0xF7A, s2;
	p2 =	seq.s32 @!p0 s5, $0x0  }
0x1f: {  	s9 =	smul.u32 $0xF7A, s1;
	s8 =	simm.s32 @!p0 $0x1BF5;
	p2 =	por !p2, p0  }
0x20: {  	[sflag:s8] =	ssyncset.s32 @!p0 $0xFFFFF086;
	s6 =	sadd.s32 @!p0 s3, s7;
	s7 =	simm.s32 @!p0 $0x108  }
0x21: {  	s3 =	sadd.s32 s3, s9;
	s6 =	sadd.s32 @!p0 $0x88, s6;
	s7 =	simm.s32 @p2 $0x1082  }
0x22: {  	[simem:s7], [sflag:s8] =	dma.local @!p0 [hbm:s6], $0xF7A  }
0x23: {  	s9 =	sor.u32 $0xD0000000, s2;
	s6 =	simm.s32 $0x108;
	_ =	swait.ge @!p0 [sflag:s8], $0x0  }
0x24: {  	s3 =	sadd.s32 $0x88, s3;
	s6 =	simm.s32 @!p1 $0x1082;
	[sflag:s4] =	ssyncset.s32 $0xFFFFF086  }
0x25: {  	[simem:s6], [sflag:s4] =	dma.local [hbm:s3], $0xF7A  }
0x26: {  	[smem:$0x3F9B] =	sst s1;
	(tag) =	ssettag s2;
	_ =	strace s9  }
0x27: {  	s1 =	sld [smem:$0x3FAB]  }
0x28: {  	s2 =	sld [smem:$0x3FAC]  }
0x29: {  	s4 =	sld [smem:$0x3FAE]  }
0x2a: {  	p0 =	seq.s32 s5, $0x0;
	s5 =	sld [smem:$0x3FAF]  }
0x2b: {  	s6 =	sld [smem:$0x3FB0]  }
0x2c: {  	s7 =	sld [smem:$0x3FB1]  }
0x2d: {  	s3 =	simm.s32 $0x108;
	s8 =	sld [smem:$0x3FB2]  }
0x2e: {  	s3 =	simm.s32 @!p0 $0x1082;
	s9 =	sld [smem:$0x3FB3]  }
0x2f: {  	lr =	sadd.s32 s0, s3;
	s0 =	sld [smem:$0x3FAA]  }
0x30: {  	s3 =	sld [smem:$0x3FAD]  }
0x31: {  	[smem:$0x3FB6] =	sst s10  }
0x32: {  	s10 =	sld [smem:$0x3FB4];
	_ =	sdelay $0x3  }
0x33: {  	p0 =	seq.s32 s10, $0x1;
	s10 =	sld [smem:$0x3FB6];
	_ =	sdelay $0x3  }
0x34: {  	[smem:$0x3FB6] =	sst s10  }
0x35: {  	s10 =	sld [smem:$0x3FB5];
	_ =	sdelay $0x3  }
0x36: {  	p1 =	seq.s32 s10, $0x1;
	s10 =	sld [smem:$0x3FB6];
	_ =	sdelay $0x3  }
0x37: {  	[smem:$0x3FB6] =	sst s10  }
0x38: {  	s10 =	sld [smem:$0x3FB7]  }
0x39: {  	_ = 	snop;
	(pc) =	sbr.ind lr, $3  }
0x3a: {  	_ = 	snop  }
0x3b: {  	_ = 	snop  }
0x3c: {  	p2 =	seq.s32 s10, $0x1;
	s10 =	sld [smem:$0x3FB6]  }
0x3d: {  	_ =	shalt  }
0x3e: {  	_ =	shalt  }
0x3f: {  	_ =	shalt  }
0x40: {  	_ =	shalt  }
0x41: {  	_ =	shalt  }
0x42: {  	_ =	shalt  }
0x43: {  	_ =	shalt  }
0x44: {  	_ =	shalt  }
0x45: {  	_ =	shalt  }
0x46: {  	_ =	shalt  }
0x47: {  	_ =	shalt  }
0x48: {  	_ =	shalt  }
0x49: {  	_ =	shalt  }
0x4a: {  	_ =	shalt  }
0x4b: {  	_ =	shalt  }
0x4c: {  	_ =	shalt  }
0x4d: {  	_ =	shalt  }
0x4e: {  	_ =	shalt  }
0x4f: {  	_ =	shalt  }
0x50: {  	_ =	shalt  }
0x51: {  	_ =	shalt  }
0x52: {  	_ =	shalt  }
0x53: {  	_ =	shalt  }
0x54: {  	_ =	shalt  }
0x55: {  	_ =	shalt  }
0x56: {  	_ =	shalt  }
0x57: {  	_ =	shalt  }
0x58: {  	_ =	shalt  }
0x59: {  	_ =	shalt  }
0x5a: {  	_ =	shalt  }
0x5b: {  	_ =	shalt  }
0x5c: {  	_ =	shalt  }
0x5d: {  	_ =	shalt  }
0x5e: {  	_ =	shalt  }
0x5f: {  	_ =	shalt  }
0x60: {  	_ =	shalt  }
0x61: {  	_ =	shalt  }
0x62: {  	_ =	shalt  }
0x63: {  	_ =	shalt  }
0x64: {  	_ =	shalt  }
0x65: {  	_ =	shalt  }
0x66: {  	_ =	shalt  }
0x67: {  	_ =	shalt  }
0x68: {  	_ =	shalt  }
0x69: {  	_ =	shalt  }
0x6a: {  	_ =	shalt  }
0x6b: {  	_ =	shalt  }
0x6c: {  	_ =	shalt  }
0x6d: {  	_ =	shalt  }
0x6e: {  	_ =	shalt  }
0x6f: {  	_ =	shalt  }
0x70: {  	_ =	shalt  }
0x71: {  	_ =	shalt  }
0x72: {  	_ =	shalt  }
0x73: {  	_ =	shalt  }
0x74: {  	_ =	shalt  }
0x75: {  	_ =	shalt  }
0x76: {  	_ =	shalt  }
0x77: {  	_ =	shalt  }
0x78: {  	_ =	shalt  }
0x79: {  	_ =	shalt  }
0x7a: {  	_ =	shalt  }
0x7b: {  	_ =	shalt  }
0x7c: {  	_ =	shalt  }
0x7d: {  	_ =	shalt  }
0x7e: {  	_ =	shalt  }
0x7f: {  	_ =	shalt  }
0x80: {  	_ =	shalt  }
0x81: {  	_ =	shalt  }
0x82: {  	_ =	shalt  }
0x83: {  	_ =	shalt  }
0x84: {  	_ =	shalt  }
0x85: {  	_ =	shalt  }
0x86: {  	_ =	shalt  }
0x87: {  	_ =	shalt  }
.Lfunc_end0:
.L_simem_size_0:
called_computation.1_lowered:
.L_overlay_start_0:
0x88: {  	s2 =	sld [smem:$0x3FD9]  }
0x89: {  	s3 =	sld [smem:$0x3FFE];
	_ =	sdelay $0x1  }
0x8a: {  	s1 =	srdreg.scid  }
0x8b: {  	s0 =	sand.u32 $0x1, s1  }
0x8c: {  	s16 =	sshll.u32 s0, $0xA;
	s2 =	sadd.s32 s3, s2  }
0x8d: {  	s2 =	sadd.s32 s2, s16  }
0x8e: {  	[smem:$0x3FC2] =	sst s2  }
0x8f: {  	_ = 	snop  }
0x90: {  	(tm) =	ssettm $0x1  }
0x91: {  	s17 =	sld [smem:$0x3FFB];
	_ =	sdelay $0x3  }
0x92: {  	_ =	strace s17  }
0x93: {  	s2 =	sld [smem:$0x3FFC];
	_ =	sdelay $0x3  }
0x94: {  	_ =	strace s2  }
0x95: {  	s2 =	sld [smem:$0x3FFD];
	_ =	sdelay $0x3  }
0x96: {  	_ =	strace s2  }
0x97: {  	_ =	strace $0x8FFFFFFF  }
0x98: {  	s18 =	sld [smem:$0x3FDB];
	_ =	sdelay $0x1  }
0x99: {  	s19 =	simm.s32 $_scs_section_size  }
0x9a: {  	s4 =	simm.s32 $_size__tile_overlayer_lowered;
	s5 =	simm.s32 $_tile_overlayer_lowered  }
0x9b: {  	s22 =	simm.s32 $0x1BFF;
	s21 =	sshll.u32 s5, $0x1;
	s2 =	sadd.s32 s19, s18  }
0x9c: {  	s6 =	simm.s32 $0x0;
	s20 =	sshll.u32 s4, $0x1;
	s4 =	sadd.s32 s21, s2  }
0x9d: {  	[timem:s6], [sflag:s22] =	dma.local [hbm:s4], s20  }
0x9e: {  	_ =	swait.ge [sflag:s22], s20  }
0x9f: {  	s3 =	ssub.s32 $0x0, s20;
	[sflag:s22] =	ssyncset.done $0x0  }
0xa0: {  	[sflag:s22] =	ssyncadd.s32 s3;
	_ =	sdelay $0x1  }
0xa1: {  	s23 =	simm.s32 $0x1B8B  }
0xa2: {  	_ =	swait.ge [sflag:s23], $0x1  }
0xa3: {  	[sflag:s23] =	ssyncset.done $0x0  }
0xa4: {  	s25 =	simm.s32 $0x1B8E;
	s24 =	sld [smem:$0x3FFE];
	[sflag:s23] =	ssyncadd.s32 $0xFFFFFFFF  }
0xa5: {  	s26 =	simm.s32 $execute0_lowered;
	[smem:$0x3FD2] =	sst s25  }
0xa6: {  	s4 =	sshll.u32 s26, $0x1;
	_ =	strace $0x80000049;
	[dreg:$0x1] =	wrdreg $0xFFFFFFFF  }
0xa7: {  	s28 =	simm.s32 $_size_execute0_lowered;
	s2 =	sadd.s32 s2, s4;
	[dreg:$0x0] =	wrdreg $0x0  }
0xa8: {  	s4 =	sshll.u32 s28, $0x1;
	[dreg:$0x2] =	wrdreg s2  }
0xa9: {  	[dreg:$0x3] =	wrdreg s4  }
0xaa: {  	[dreg:$0x4] =	wrdreg $0xC0  }
0xab: {  	_ =	task [dreg:s6], $0x5FFFF  }
0xac: {  	[dreg:$0x1] =	wrdreg $0xFFFFFFFF  }
0xad: {  	[dreg:$0x0] =	wrdreg $0x60  }
0xae: {  	[dreg:$0x2] =	wrdreg s24  }
0xaf: {  	[dreg:$0x3] =	wrdreg $0x0  }
0xb0: {  	[dreg:$0x4] =	wrdreg $0x27800  }
0xb1: {  	[dreg:$0x5] =	wrdreg $0x9  }
0xb2: {  	_ =	task.clear_ibuf [dreg:s6], $0x6FFFF;
	_ =	strace $0x90000049  }
0xb3: {  	s29 =	simm.s32 $0x9;
	_ =	strace $0x8000004B  }
0xb4: {  	_ =	swait.ge [sflag:s29], $0x1  }
0xb5: {  	[sflag:s29] =	ssyncadd.s32 $0xFFFFFFFF  }
0xb6: {  	_ =	strace $0x9000004B  }
0xb7: {  	_ =	sfence  }
0xb8: {  	s30 =	sld [smem:$0x0];
	_ =	sdelay $0x2  }
0xb9: {  	s31 =	sshll.u32 s1, $0xD;
	s1 =	sshrl.u32 s1, $0x2  }
0xba: {  	s3 =	sand.u32 $0x4000, s31;
	s1 =	sadd.s32 s1, s30  }
0xbb: {  	s0 =	sor.u32 s3, s0;
	s1 =	sshll.u32 s1, $0x11  }
0xbc: {  	s0 =	sor.u32 s1, s0  }
0xbd: {  	s0 =	sadd.s32 $0x8F2B, s0  }
0xbe: {  	[sflag:s0] =	ssyncadd.remote.s32 $0x1  }
0xbf: {  	_ =	sfence.sel $0xFFFF  }
0xc0: {  	[dreg:$0x0] =	wrdreg $0xFFFFFFFF;
	(pc) =	sbr.abs _section_cstart, $3  }
0xc1: {  	[dreg:$0x1] =	wrdreg $0xFFFFFFFF  }
0xc2: {  	_ =	task.clear_ibuf [dreg:s6], $0x2FFFF;
	_ =	strace $0x9FFFFFFF  }
0xc3: {  	(tm) =	ssettm $0x7FFFFFFF  }
tec
execute0_lowered:
.L_overlay_start_1:
0x0: {  	(tag) =	ssettag $0x1  }
0x1: {  	s9 =	rddreg [dreg:$0x0]  }
0x2: {  	s2 =	rddreg [dreg:$0x1];
	s1 =	srdreg.scid  }
0x3: {  	s0 =	stileid.u32;
	s3 =	rddreg [dreg:$0x2]  }
0x4: {  	s4 =	simm.s32 $0x0;
	s21 =	simm.s32 $0x1;
	s22 =	simm.s32 $0xA600  }
0x5: {  	s25 =	sand.u32 $0x1, s1;
	s14 =	smul.u32 $0x2780, s0;
	[smem:$0x7FF] =	sst s4  }
0x6: {  	s6 =	sshll.u32 s0, $0x1;
	s7 =	sadd.s32 $0x2600, s9;
	s19 =	sshll.u32 s0, $0x6  }
0x7: {  	s5 =	smul.u32 $0x27800, s25;
	_ =	strace $0x8000004A;
	s6 =	sor.u32 s25, s6  }
0x8: {  	s10 =	ssub.s32 $0x2, s25;
	s19 =	sor.u32 $0x1C01, s19;
	p1 =	sne.s32 s25, $0x0  }
0x9: {  	s25 =	simm.s32 $0x0;
	s8 =	sshrl.u32 s14, $0x3;
	s11 =	smul.u32 $0x2780, s6  }
0xa: {  	s29 =	sshrl.u32 s10, $0x1;
	s30 =	smul.u32 $0x4F0, s6;
	p0 =	seq.s32 s6, $0x1F  }
0xb: {  	s20 =	sadd.s32 s14, s2;
	s5 =	sadd.s32 s14, s5;
	s16 =	sadd.s32 s8, s9  }
0xc: {  	s18 =	ssub.s32 s10, s29;
	s8 =	sadd.s32 $0xBF10, s9;
	s14 =	sadd.s32 s14, s3  }
0xd: {  	s20 =	sshrl.u32 s20, $0x3;
	s5 =	sshrl.u32 s5, $0x3;
	s31 =	sshrl.u32 s11, $0x3  }
0xe: {  	s6 =	sadd.s32 s7, s30;
	s11 =	sadd.s32 $0x24E00, s16;
	s12 =	sadd.s32 $0x1B000, s16  }
0xf: {  	s13 =	sadd.s32 $0x1FF00, s16;
	s15 =	sadd.s32 $0x33C00, s16;
	s18 =	smax.u32 s18, $0x1  }
0x10: {  	s17 =	sadd.s32 s5, s9;
	s5 =	simm.s32 $0x33;
	s10 =	sadd.s32 s7, s31  }
0x11: {  	s9 =	sadd.s32 $0x15B50, s9;
	s5 =	simm.s32 @!p0 $0x4F;
	s7 =	sadd.s32 $0x9C40, s10  }
0x12: {  	s10 =	sadd.s32 $0x16000, s16;
	s16 =	sadd.s32 $0x38C00, s16;
	s17 =	sadd.s32 $0x29E00, s17  }
.LBB2_1:
0x13: {  	s26 =	simm.s32 @p0 $0x0;
	s28 =	simm.s32 @p0 $0x4F00  }
0x14: {  	[tilespmem:s28], [sflag:$0x1] =	stream.linear.gather @p0 [hbm4b:s8+s26], $0x1980, $0x38;
	[tilespmem:$0x11C80] =	vst v63  }
0x15: {  	s28 =	simm.s32 @p0 $0x1  }
0x16: {  	_ =	swait.ge @p0 [sflag:s28], $0x1980  }
0x17: {  	[sflag:s28] =	ssyncset.done @p0 $0x0  }
0x18: {  	s29 =	simm.s32 @p0 $0x7680;
	[sflag:s28] =	ssyncadd.s32 @p0 $0xFFFFE680  }
0x19: {  	[tilespmem:s29], [sflag:$0x1] =	stream.linear.gather @p0 [hbm4b:s9+s26], $0x1980, $0x38;
	[tilespmem:$0x11C80] =	vst v63  }
0x1a: {  	_ =	swait.ge @p0 [sflag:s28], $0x1980  }
0x1b: {  	[sflag:s28] =	ssyncset.done @p0 $0x0  }
0x1c: {  	s26 =	simm.s32 @!p0 $0x0;
	[sflag:s28] =	ssyncadd.s32 @p0 $0xFFFFE680;
	s28 =	simm.s32 @!p0 $0x4F00  }
0x1d: {  	[tilespmem:s28], [sflag:$0x1] =	stream.linear.gather @!p0 [hbm4b:s6+s26], $0x2780, $0x38;
	[tilespmem:$0x11C80] =	vst v63  }
0x1e: {  	s28 =	simm.s32 @!p0 $0x1  }
0x1f: {  	_ =	swait.ge @!p0 [sflag:s28], $0x2780  }
0x20: {  	[sflag:s28] =	ssyncset.done @!p0 $0x0  }
0x21: {  	s29 =	simm.s32 @!p0 $0x7680;
	[sflag:s28] =	ssyncadd.s32 @!p0 $0xFFFFD880  }
0x22: {  	[tilespmem:s29], [sflag:$0x1] =	stream.linear.gather @!p0 [hbm4b:s7+s26], $0x2780, $0x38;
	[tilespmem:$0x11C80] =	vst v63  }
0x23: {  	_ =	swait.ge @!p0 [sflag:s28], $0x2780  }
0x24: {  	[sflag:s28] =	ssyncset.done @!p0 $0x0  }
0x25: {  	[sflag:s28] =	ssyncadd.s32 @!p0 $0xFFFFD880  }
0x26: {  	[spmem:s20], [sflag:s19] =	dma.local [hbm:s10], $0x4F0  }
0x27: {  	_ =	swait.ge [sflag:s21], $0x4F0  }
0x28: {  	[sflag:s21] =	ssyncset.done $0x0  }
0x29: {  	[sflag:s21] =	ssyncadd.s32 $0xFFFFFB10  }
0x2a: {  	[tilespmem:s22], [sflag:$0x1] =	stream.linear.gather [hbm4b:s11+s4], $0x2780, $0x38;
	[tilespmem:$0x11C80] =	vst v63  }
0x2b: {  	_ =	swait.ge [sflag:s21], $0x2780  }
0x2c: {  	[sflag:s21] =	ssyncset.done $0x0  }
0x2d: {  	s0 =	simm.s32 $0xCD80;
	[sflag:s21] =	ssyncadd.s32 $0xFFFFD880  }
0x2e: {  	[tilespmem:s0], [sflag:$0x1] =	stream.linear.gather [hbm4b:s12+s4], $0x2780, $0x38;
	[tilespmem:$0x11C80] =	vst v63  }
0x2f: {  	_ =	swait.ge [sflag:s21], $0x2780  }
0x30: {  	[sflag:s21] =	ssyncset.done $0x0  }
0x31: {  	s31 =	simm.s32 $0xF500;
	[sflag:s21] =	ssyncadd.s32 $0xFFFFD880  }
0x32: {  	[tilespmem:s31], [sflag:$0x1] =	stream.linear.gather [hbm4b:s13+s4], $0x2780, $0x38;
	[tilespmem:$0x11C80] =	vst v63  }
0x33: {  	_ =	swait.ge [sflag:s21], $0x2780  }
0x34: {  	[sflag:s21] =	ssyncset.done $0x0  }
0x35: {  	s26 =	simm.s32 $0x0;
	[sflag:s21] =	ssyncadd.s32 $0xFFFFD880  }
0x36: {  	v0 =	vld [tilespmem:s26+$0xF500]  }
0x37: {  	v1 =	vld [tilespmem:s26+$0xCD80];
	_ =	sdelay $0x4  }
0x38: {  	v0 =	vadd.f32 v0, v1;
	_ =	sdelay $0x1  }
0x39: {  	v0 =	vadd.f32 $1.000000000e+00, v0;
	_ =	sdelay $0x1  }
0x3a: {  	v1 =	vshra.s32 v0, $0x1;
	v0 =	vmul.f32 $5.000000000e-01, v0  }
0x3b: {  	v1 =	vsub.s32 $0x5F3759DF, v1  }
0x3c: {  	v2 =	vmul.f32 v1, v0;
	_ =	sdelay $0x1  }
0x3d: {  	v2 =	vmul.f32 v1, v2;
	_ =	sdelay $0x1  }
0x3e: {  	v2 =	vsub.f32 $1.500000000e+00, v2;
	_ =	sdelay $0x1  }
0x3f: {  	v1 =	vmul.f32 v1, v2;
	_ =	sdelay $0x1  }
0x40: {  	v2 =	vmul.f32 v1, v0;
	_ =	sdelay $0x1  }
0x41: {  	v2 =	vmul.f32 v2, v1;
	_ =	sdelay $0x1  }
0x42: {  	v2 =	vsub.f32 $1.500000000e+00, v2;
	_ =	sdelay $0x1  }
0x43: {  	v1 =	vmul.f32 v2, v1;
	_ =	sdelay $0x1  }
0x44: {  	v0 =	vmul.f32 v1, v0;
	_ =	sdelay $0x1  }
0x45: {  	v0 =	vmul.f32 v0, v1;
	_ =	sdelay $0x1  }
0x46: {  	v2 =	vsub.f32 $1.500000000e+00, v0;
	v0 =	vld [tilespmem:s26+$0xA600];
	_ =	sdelay $0x2  }
0x47: {  	s29 =	simm.s32 $0x80;
	s28 =	simm.s32 $0x40;
	v1 =	vmul.f32 v2, v1  }
.LBB2_2:
0x48: {  	p2 =	sne.s32 s29, $0x9DC0;
	s30 =	sshra.s32 s28, $0x2;
	s28 =	smov.u32 s29  }
0x49: {  	v2 =	vld [tilespmem:s30+$0xF500];
	[tilespmem:s26+$0xCD80] =	vst v1;
	v0 =	vmul.f32 v1, v0  }
0x4a: {  	v1 =	vld [tilespmem:s30+$0xCD80]  }
0x4b: {  	[tilespmem:s26+$0xA600] =	vst v0;
	s26 =	smov.u32 s30;
	_ =	sdelay $0x3  }
0x4c: {  	v0 =	vadd.f32 v2, v1;
	_ =	sdelay $0x1  }
0x4d: {  	v0 =	vadd.f32 $1.000000000e+00, v0;
	_ =	sdelay $0x1  }
0x4e: {  	v1 =	vshra.s32 v0, $0x1;
	v0 =	vmul.f32 $5.000000000e-01, v0  }
0x4f: {  	v1 =	vsub.s32 $0x5F3759DF, v1  }
0x50: {  	v2 =	vmul.f32 v1, v0;
	_ =	sdelay $0x1  }
0x51: {  	v2 =	vmul.f32 v1, v2;
	_ =	sdelay $0x1  }
0x52: {  	v2 =	vsub.f32 $1.500000000e+00, v2;
	_ =	sdelay $0x1  }
0x53: {  	v1 =	vmul.f32 v1, v2;
	_ =	sdelay $0x1  }
0x54: {  	v2 =	vmul.f32 v1, v0;
	_ =	sdelay $0x1  }
0x55: {  	v2 =	vmul.f32 v2, v1;
	_ =	sdelay $0x1  }
0x56: {  	v2 =	vsub.f32 $1.500000000e+00, v2;
	_ =	sdelay $0x1  }
0x57: {  	v1 =	vmul.f32 v2, v1;
	_ =	sdelay $0x1  }
0x58: {  	v0 =	vmul.f32 v1, v0;
	_ =	sdelay $0x1  }
.Ltmp0:
0x59: {  	v2 =	vmul.f32 v0, v1;
	(pc) =	sbr.rel @p2 .LBB2_2-.Ltmp0, $3  }
0x5a: {  	v0 =	vld [tilespmem:s26+$0xA600]  }
0x5b: {  	v2 =	vsub.f32 $1.500000000e+00, v2;
	_ =	sdelay $0x1  }
0x5c: {  	s29 =	sadd.s32 $0x40, s29;
	v1 =	vmul.f32 v2, v1  }
0x5d: {  	s28 =	sshra.s32 s28, $0x2  }
0x5e: {  	v2 =	vld [tilespmem:s28+$0xF500];
	[tilespmem:s26+$0xCD80] =	vst v1  }
0x5f: {  	v3 =	vld [tilespmem:s28+$0xCD80];
	_ =	sdelay $0x4  }
0x60: {  	v2 =	vadd.f32 v2, v3;
	_ =	sdelay $0x1  }
0x61: {  	v2 =	vadd.f32 $1.000000000e+00, v2;
	_ =	sdelay $0x1  }
0x62: {  	v60 =	vshra.s32 v2, $0x1;
	v2 =	vmul.f32 $5.000000000e-01, v2  }
0x63: {  	v3 =	vsub.s32 $0x5F3759DF, v60  }
0x64: {  	v4 =	vmul.f32 v3, v2;
	_ =	sdelay $0x1  }
0x65: {  	v4 =	vmul.f32 v3, v4;
	_ =	sdelay $0x1  }
0x66: {  	v4 =	vsub.f32 $1.500000000e+00, v4;
	_ =	sdelay $0x1  }
0x67: {  	v3 =	vmul.f32 v3, v4;
	_ =	sdelay $0x1  }
0x68: {  	v4 =	vmul.f32 v3, v2;
	_ =	sdelay $0x1  }
0x69: {  	v4 =	vmul.f32 v4, v3;
	_ =	sdelay $0x1  }
0x6a: {  	v4 =	vsub.f32 $1.500000000e+00, v4;
	_ =	sdelay $0x1  }
0x6b: {  	v3 =	vmul.f32 v4, v3;
	_ =	sdelay $0x1  }
0x6c: {  	v0 =	vmul.f32 v1, v0;
	v61 =	vmul.f32 v3, v2;
	_ =	sdelay $0x1  }
0x6d: {  	[tilespmem:s26+$0xA600] =	vst v0;
	v62 =	vmul.f32 v61, v3  }
0x6e: {  	v63 =	vld [tilespmem:s28+$0xA600]  }
0x6f: {  	v0 =	vsub.f32 $1.500000000e+00, v62;
	_ =	sdelay $0x1  }
0x70: {  	v0 =	vmul.f32 v0, v3;
	_ =	sdelay $0x1  }
0x71: {  	v1 =	vmul.f32 v0, v63  }
0x72: {  	[tilespmem:s28+$0xCD80] =	vst v0  }
0x73: {  	[tilespmem:s28+$0xA600] =	vst v1  }
0x74: {  	[spmem:s14] =	stream.linear.scatter [tilespmem:s22], [sflag:$0x1], $0x2780, $0x38;
	[tilespmem:$0x11C80] =	vst v63  }
0x75: {  	_ =	swait.ge [sflag:s21], $0x2780  }
0x76: {  	[sflag:s21] =	ssyncset.done $0x0  }
0x77: {  	s26 =	simm.s32 @!p1 $0x0;
	s28 =	simm.s32 @!p1 $0xA600;
	[sflag:s21] =	ssyncadd.s32 $0xFFFFD880  }
0x78: {  	[hbm4b:s15+s26] =	stream.linear.scatter @!p1 [tilespmem:s28], [sflag:$0x1], $0x2780, $0x38;
	[tilespmem:$0x11C80] =	vst v63  }
0x79: {  	s28 =	simm.s32 @!p1 $0x1  }
0x7a: {  	_ =	swait.ge @!p1 [sflag:s28], $0x2780  }
0x7b: {  	[sflag:s28] =	ssyncset.done @!p1 $0x0  }
0x7c: {  	s29 =	simm.s32 @!p1 $0xCD80;
	[sflag:s28] =	ssyncadd.s32 @!p1 $0xFFFFD880  }
0x7d: {  	[hbm4b:s16+s26] =	stream.linear.scatter @!p1 [tilespmem:s29], [sflag:$0x1], $0x2780, $0x38;
	[tilespmem:$0x11C80] =	vst v63  }
0x7e: {  	_ =	swait.ge @!p1 [sflag:s28], $0x2780  }
0x7f: {  	p2 =	sle.u32 s5, $0x0;
	[sflag:s28] =	ssyncset.done @!p1 $0x0  }
0x80: {  	s30 =	simm.s32 @!p2 $0x2;
	s26 =	simm.s32 $0x4F00;
	[sflag:s28] =	ssyncadd.s32 @!p1 $0xFFFFD880  }
0x81: {  	s29 =	simm.s32 @!p2 $0x9E00;
	s28 =	simm.s32 @!p2 $0x80;
	[bflag:$0x0] =	sbarrier.arrive $0xFFFF  }
0x82: {  	[tilespmem:s29], [sflag:$0x2] =	stream.indirect.gather @!p2 [spmem:s3], $0x10, s26, s28, $0xb8;
	[tilespmem:$0x11C80] =	vst v63  }
0x83: {  	_ =	swait.ge @!p2 [sflag:s30], $0x800  }
0x84: {  	[sflag:s30] =	ssyncset.done @!p2 $0x0;
	p2 =	por p2, p2  }
0x85: {  	s26 =	simm.s32 $0x7680;
	[sflag:s30] =	ssyncadd.s32 @!p2 $0xFFFFF800  }
0x86: {  	[spmem:s2] =	stream.indirect.scatter.add.f32 @!p2 [tilespmem:s29], [sflag:$0x1], $0x10, s26, s28, $0xb8;
	[tilespmem:$0x11C80] =	vst v63  }
0x87: {  	p3 =	sle.u32 s5, $0x1;
	s30 =	simm.s32 @!p2 $0x1;
	s29 =	simm.s32 $0x2  }
0x88: {  	s26 =	simm.s32 $0x7700;
	s28 =	simm.s32 $0x4F80;
	_ =	swait.ge @!p2 [sflag:s30], $0x800  }
.LBB2_4:
0x89: {  	s31 =	simm.s32 @!p3 $0x80;
	s1 =	simm.s32 @!p3 $0x9E00;
	[sflag:s30] =	ssyncset.done @!p2 $0x0  }
0x8a: {  	s0 =	smov.u32 s29;
	s23 =	smov.u32 s26;
	s29 =	sadd.s32 $0x1, s29  }
0x8b: {  	s24 =	simm.s32 @!p3 $0x2;
	[sflag:s30] =	ssyncadd.s32 @!p2 $0xFFFFF800;
	p4 =	sne.s32 s29, $0x4F  }
0x8c: {  	[tilespmem:s1], [sflag:$0x2] =	stream.indirect.gather @!p3 [spmem:s3], $0x10, s28, s31, $0xb8;
	[tilespmem:$0x11C80] =	vst v63  }
.Ltmp1:
0x8d: {  	_ =	swait.ge @!p3 [sflag:s24], $0x800;
	(pc) =	sbr.rel @p4 .LBB2_4-.Ltmp1, $4  }
0x8e: {  	p2 =	por p3, p3;
	[sflag:s24] =	ssyncset.done @!p3 $0x0  }
0x8f: {  	s26 =	sadd.s32 $0x80, s26;
	s30 =	simm.s32 @!p2 $0x1;
	[sflag:s24] =	ssyncadd.s32 @!p2 $0xFFFFF800  }
0x90: {  	[spmem:s2] =	stream.indirect.scatter.add.f32 @!p2 [tilespmem:s1], [sflag:$0x1], $0x10, s23, s31, $0xb8;
	[tilespmem:$0x11C80] =	vst v63  }
0x91: {  	s28 =	sadd.s32 $0x80, s28;
	p3 =	sge.u32 s0, s5;
	_ =	swait.ge @!p2 [sflag:s30], $0x800  }
0x92: {  	s0 =	simm.s32 @!p3 $0x80;
	[sflag:s30] =	ssyncset.done @!p2 $0x0  }
0x93: {  	s1 =	simm.s32 @!p3 $0x9E00;
	s23 =	simm.s32 @!p3 $0x2;
	[sflag:s30] =	ssyncadd.s32 @!p2 $0xFFFFF800  }
0x94: {  	[tilespmem:s1], [sflag:$0x2] =	stream.indirect.gather @!p3 [spmem:s3], $0x10, s28, s0, $0xb8;
	[tilespmem:$0x11C80] =	vst v63  }
0x95: {  	_ =	swait.ge @!p3 [sflag:s23], $0x800  }
0x96: {  	p2 =	por p3, p3;
	[sflag:s23] =	ssyncset.done @!p3 $0x0  }
0x97: {  	[sflag:s23] =	ssyncadd.s32 @!p2 $0xFFFFF800;
	s23 =	simm.s32 @!p2 $0x1  }
0x98: {  	[spmem:s2] =	stream.indirect.scatter.add.f32 @!p2 [tilespmem:s1], [sflag:$0x1], $0x10, s26, s0, $0xb8;
	[tilespmem:$0x11C80] =	vst v63  }
0x99: {  	_ =	swait.ge @!p2 [sflag:s23], $0x800  }
0x9a: {  	s25 =	sadd.s32 $0x1, s25;
	[sflag:s23] =	ssyncset.done @!p2 $0x0  }
0x9b: {  	[sflag:s23] =	ssyncadd.s32 @!p2 $0xFFFFF800;
	p2 =	sne.s32 s25, s18  }
.Ltmp2:
0x9c: {  	[bflag:$0x0] =	sbarrier.arrive $0xFFFF;
	(pc) =	sbr.rel @p2 .LBB2_1-.Ltmp2, $4  }
0x9d: {  	[hbm:s17], [sflag:s19] =	dma.local [spmem:s20], $0x4F0  }
0x9e: {  	_ =	swait.ge [sflag:s21], $0x4F0  }
0x9f: {  	[sflag:s21] =	ssyncset.done $0x0  }
0xa0: {  	[sflag:s21] =	ssyncadd.s32 $0xFFFFFB10  }
0xa1: {  	_ =	sfence.sel $0x180000  }
0xa2: {  	[bflag:$0x0] =	sbarrier.arrive $0xFFFF  }
0xa3: {  	_ =	strace $0x9000004A  }
0xa4: {  	s0 =	stileid.u32;
	[bflag:$0x2] =	sbarrier.arrive $0xFFFF  }
0xa5: {  	p0 =	sne.s32 s0, $0x0;
	s0 =	rddreg [dreg:$0x3]  }
0xa6: {  	s0 =	sadd.s32 @!p0 $0x100000, s0  }
0xa7: {  	[sflag:s0] =	ssyncadd.tile.s32 @!p0 $0x1;
	_ =	shalt  }
.Lfunc_end2:
_tile_overlayer_lowered:
.L_overlay_start_2:
0xa8: {  	(tag) =	ssettag $0x2  }
0xa9: {  	s0 =	rddreg [dreg:$0x0];
	s2 =	stileid.u32  }
0xaa: {  	s1 =	rddreg [dreg:$0x1];
	p0 =	sne.s32 s2, $0x0  }
0xab: {  	s3 =	rddreg [dreg:$0x2];
	[bflag:$0x3] =	sbarrier.arrive $0xFFFF;
	s2 =	simm.s32 @!p0 $0x1C01  }
0xac: {  	[timem:s3], [sflag:s2] =	dma.local @!p0 [hbm:s0], s1  }
0xad: {  	s0 =	simm.s32 @!p0 $0x1  }
0xae: {  	_ =	swait.ge @!p0 [sflag:s0], s1  }
0xaf: {  	s1 =	ssub.s32 @!p0 $0x0, s1;
	[sflag:s0] =	ssyncset.done @!p0 $0x0  }
0xb0: {  	[sflag:s0] =	ssyncadd.s32 @!p0 s1  }
0xb1: {  	[bflag:$0x3] =	sbarrier.arrive $0xFFFF  }
0xb2: {  	_ =	shalt  }

// kernel: kernel.13.cloned.1.call-start
scs
__scs_entry_jumppad:
0x0: {  	(pc) =	sbr.rel $0x88, $3  }
0x1: {  	(tag) =	ssettag $0x0;
	lr =	simm.s32 $0x1  }
0x2: {  	[smem:$0x3F9B] =	sst lr;
	_ =	strace $0xD0000000  }
0x3: {  	_ = 	snop  }
0x4: {  	_ = 	snop  }
0x5: {  	_ = 	snop  }
0x6: {  	_ = 	snop  }
0x7: {  	_ = 	snop  }
__scs_overlays_trampoline_lowered:
0x8: {  	[smem:$0x3FAA] =	sst s0  }
0x9: {  	[smem:$0x3FAB] =	sst s1  }
0xa: {  	[smem:$0x3FAC] =	sst s2  }
0xb: {  	[smem:$0x3FAD] =	sst s3  }
0xc: {  	[smem:$0x3FAE] =	sst s4  }
0xd: {  	[smem:$0x3FAF] =	sst s5  }
0xe: {  	[smem:$0x3FB0] =	sst s6  }
0xf: {  	[smem:$0x3FB1] =	sst s7  }
0x10: {  	[smem:$0x3FB2] =	sst s8  }
0x11: {  	[smem:$0x3FB3] =	sst s9;
	s0 =	simm.s32 @!p0 $0x0  }
0x12: {  	s1 =	sld [smem:$0x3F99];
	s0 =	simm.s32 @p0 $0x1  }
0x13: {  	[smem:$0x3FB4] =	sst s0;
	s0 =	simm.s32 @!p1 $0x0  }
0x14: {  	s2 =	sld [smem:$0x3F98];
	s0 =	simm.s32 @p1 $0x1  }
0x15: {  	[smem:$0x3FB5] =	sst s0;
	s0 =	simm.s32 @!p2 $0x0  }
0x16: {  	s3 =	sld [smem:$0x3FDB];
	s0 =	simm.s32 @p2 $0x1  }
0x17: {  	s4 =	simm.s32 $0x1BF5;
	[smem:$0x3FB7] =	sst s0  }
0x18: {  	s0 =	sld [smem:$0x3F9A];
	_ =	swait.ge [sflag:s4], $0x0  }
0x19: {  	s7 =	sld [smem:$0x3F9B]  }
0x1a: {  	s8 =	sadd.s32 $0xFFFFE003, lr  }
0x1b: {  	s9 =	sadd.s32 $0xFFFFFEF7, lr;
	s5 =	simm.s32 $0xFFFFFFFF;
	p2 =	slt.u32 s8, $0xFFFFF086  }
0x1c: {  	p1 =	slt.u32 s9, $0xF7A;
	s5 =	simm.s32 @!p2 $0x0  }
0x1d: {  	s5 =	simm.s32 @p1 $0x1;
	p0 =	seq.s32 s7, s2  }
0x1e: {  	s7 =	smul.u32 @!p0 $0xF7A, s2;
	p2 =	seq.s32 @!p0 s5, $0x0  }
0x1f: {  	s9 =	smul.u32 $0xF7A, s1;
	s8 =	simm.s32 @!p0 $0x1BF5;
	p2 =	por !p2, p0  }
0x20: {  	[sflag:s8] =	ssyncset.s32 @!p0 $0xFFFFF086;
	s6 =	sadd.s32 @!p0 s3, s7;
	s7 =	simm.s32 @!p0 $0x108  }
0x21: {  	s3 =	sadd.s32 s3, s9;
	s6 =	sadd.s32 @!p0 $0x88, s6;
	s7 =	simm.s32 @p2 $0x1082  }
0x22: {  	[simem:s7], [sflag:s8] =	dma.local @!p0 [hbm:s6], $0xF7A  }
0x23: {  	s9 =	sor.u32 $0xD0000000, s2;
	s6 =	simm.s32 $0x108;
	_ =	swait.ge @!p0 [sflag:s8], $0x0  }
0x24: {  	s3 =	sadd.s32 $0x88, s3;
	s6 =	simm.s32 @!p1 $0x1082;
	[sflag:s4] =	ssyncset.s32 $0xFFFFF086  }
0x25: {  	[simem:s6], [sflag:s4] =	dma.local [hbm:s3], $0xF7A  }
0x26: {  	[smem:$0x3F9B] =	sst s1;
	(tag) =	ssettag s2;
	_ =	strace s9  }
0x27: {  	s1 =	sld [smem:$0x3FAB]  }
0x28: {  	s2 =	sld [smem:$0x3FAC]  }
0x29: {  	s4 =	sld [smem:$0x3FAE]  }
0x2a: {  	p0 =	seq.s32 s5, $0x0;
	s5 =	sld [smem:$0x3FAF]  }
0x2b: {  	s6 =	sld [smem:$0x3FB0]  }
0x2c: {  	s7 =	sld [smem:$0x3FB1]  }
0x2d: {  	s3 =	simm.s32 $0x108;
	s8 =	sld [smem:$0x3FB2]  }
0x2e: {  	s3 =	simm.s32 @!p0 $0x1082;
	s9 =	sld [smem:$0x3FB3]  }
0x2f: {  	lr =	sadd.s32 s0, s3;
	s0 =	sld [smem:$0x3FAA]  }
0x30: {  	s3 =	sld [smem:$0x3FAD]  }
0x31: {  	[smem:$0x3FB6] =	sst s10  }
0x32: {  	s10 =	sld [smem:$0x3FB4];
	_ =	sdelay $0x3  }
0x33: {  	p0 =	seq.s32 s10, $0x1;
	s10 =	sld [smem:$0x3FB6];
	_ =	sdelay $0x3  }
0x34: {  	[smem:$0x3FB6] =	sst s10  }
0x35: {  	s10 =	sld [smem:$0x3FB5];
	_ =	sdelay $0x3  }
0x36: {  	p1 =	seq.s32 s10, $0x1;
	s10 =	sld [smem:$0x3FB6];
	_ =	sdelay $0x3  }
0x37: {  	[smem:$0x3FB6] =	sst s10  }
0x38: {  	s10 =	sld [smem:$0x3FB7]  }
0x39: {  	_ = 	snop;
	(pc) =	sbr.ind lr, $3  }
0x3a: {  	_ = 	snop  }
0x3b: {  	_ = 	snop  }
0x3c: {  	p2 =	seq.s32 s10, $0x1;
	s10 =	sld [smem:$0x3FB6]  }
0x3d: {  	_ =	shalt  }
0x3e: {  	_ =	shalt  }
0x3f: {  	_ =	shalt  }
0x40: {  	_ =	shalt  }
0x41: {  	_ =	shalt  }
0x42: {  	_ =	shalt  }
0x43: {  	_ =	shalt  }
0x44: {  	_ =	shalt  }
0x45: {  	_ =	shalt  }
0x46: {  	_ =	shalt  }
0x47: {  	_ =	shalt  }
0x48: {  	_ =	shalt  }
0x49: {  	_ =	shalt  }
0x4a: {  	_ =	shalt  }
0x4b: {  	_ =	shalt  }
0x4c: {  	_ =	shalt  }
0x4d: {  	_ =	shalt  }
0x4e: {  	_ =	shalt  }
0x4f: {  	_ =	shalt  }
0x50: {  	_ =	shalt  }
0x51: {  	_ =	shalt  }
0x52: {  	_ =	shalt  }
0x53: {  	_ =	shalt  }
0x54: {  	_ =	shalt  }
0x55: {  	_ =	shalt  }
0x56: {  	_ =	shalt  }
0x57: {  	_ =	shalt  }
0x58: {  	_ =	shalt  }
0x59: {  	_ =	shalt  }
0x5a: {  	_ =	shalt  }
0x5b: {  	_ =	shalt  }
0x5c: {  	_ =	shalt  }
0x5d: {  	_ =	shalt  }
0x5e: {  	_ =	shalt  }
0x5f: {  	_ =	shalt  }
0x60: {  	_ =	shalt  }
0x61: {  	_ =	shalt  }
0x62: {  	_ =	shalt  }
0x63: {  	_ =	shalt  }
0x64: {  	_ =	shalt  }
0x65: {  	_ =	shalt  }
0x66: {  	_ =	shalt  }
0x67: {  	_ =	shalt  }
0x68: {  	_ =	shalt  }
0x69: {  	_ =	shalt  }
0x6a: {  	_ =	shalt  }
0x6b: {  	_ =	shalt  }
0x6c: {  	_ =	shalt  }
0x6d: {  	_ =	shalt  }
0x6e: {  	_ =	shalt  }
0x6f: {  	_ =	shalt  }
0x70: {  	_ =	shalt  }
0x71: {  	_ =	shalt  }
0x72: {  	_ =	shalt  }
0x73: {  	_ =	shalt  }
0x74: {  	_ =	shalt  }
0x75: {  	_ =	shalt  }
0x76: {  	_ =	shalt  }
0x77: {  	_ =	shalt  }
0x78: {  	_ =	shalt  }
0x79: {  	_ =	shalt  }
0x7a: {  	_ =	shalt  }
0x7b: {  	_ =	shalt  }
0x7c: {  	_ =	shalt  }
0x7d: {  	_ =	shalt  }
0x7e: {  	_ =	shalt  }
0x7f: {  	_ =	shalt  }
0x80: {  	_ =	shalt  }
0x81: {  	_ =	shalt  }
0x82: {  	_ =	shalt  }
0x83: {  	_ =	shalt  }
0x84: {  	_ =	shalt  }
0x85: {  	_ =	shalt  }
0x86: {  	_ =	shalt  }
0x87: {  	_ =	shalt  }
.Lfunc_end0:
.L_simem_size_0:
called_computation.2_lowered:
.L_overlay_start_0:
0x88: {  	s2 =	sld [smem:$0x3FD9]  }
0x89: {  	s3 =	sld [smem:$0x3FFE];
	_ =	sdelay $0x1  }
0x8a: {  	s1 =	srdreg.scid  }
0x8b: {  	s0 =	sand.u32 $0x1, s1  }
0x8c: {  	s17 =	sshll.u32 s0, $0xA;
	s2 =	sadd.s32 s3, s2  }
0x8d: {  	s2 =	sadd.s32 s2, s17  }
0x8e: {  	[smem:$0x3FC2] =	sst s2  }
0x8f: {  	_ = 	snop  }
0x90: {  	s2 =	sld [smem:$0x3FD0];
	(tm) =	ssettm $0x1  }
0x91: {  	s18 =	sld [smem:$0x3FFB];
	_ =	sdelay $0x3  }
0x92: {  	_ =	strace s18  }
0x93: {  	s3 =	sld [smem:$0x3FFC];
	_ =	sdelay $0x3  }
0x94: {  	_ =	strace s3  }
0x95: {  	s3 =	sld [smem:$0x3FFD];
	_ =	sdelay $0x3  }
0x96: {  	_ =	strace s3  }
0x97: {  	_ =	strace $0x8FFFFFFF  }
0x98: {  	s19 =	sld [smem:$0x3FDB];
	_ =	sdelay $0x1  }
0x99: {  	s4 =	simm.s32 $_scs_section_size  }
0x9a: {  	s5 =	simm.s32 $_size__tile_overlayer_lowered;
	s6 =	simm.s32 $_tile_overlayer_lowered  }
0x9b: {  	s22 =	simm.s32 $0x1BFF;
	s21 =	sshll.u32 s6, $0x1;
	s3 =	sadd.s32 s4, s19  }
0x9c: {  	s7 =	simm.s32 $0x0;
	s20 =	sshll.u32 s5, $0x1;
	s5 =	sadd.s32 s21, s3  }
0x9d: {  	[timem:s7], [sflag:s22] =	dma.local [hbm:s5], s20  }
0x9e: {  	_ =	swait.ge [sflag:s22], s20  }
0x9f: {  	s4 =	ssub.s32 $0x0, s20;
	[sflag:s22] =	ssyncset.done $0x0  }
0xa0: {  	[sflag:s22] =	ssyncadd.s32 s4;
	_ =	sdelay $0x1  }
0xa1: {  	s23 =	simm.s32 $0x1B8B  }
0xa2: {  	_ =	swait.ge [sflag:s23], $0x1  }
0xa3: {  	[sflag:s23] =	ssyncset.done $0x0  }
0xa4: {  	s25 =	simm.s32 $0x1B8E;
	s24 =	sld [smem:$0x3FFE];
	[sflag:s23] =	ssyncadd.s32 $0xFFFFFFFF  }
0xa5: {  	s26 =	simm.s32 $execute0_lowered;
	[smem:$0x3FD2] =	sst s25  }
0xa6: {  	s5 =	sshll.u32 s26, $0x1;
	_ =	strace $0x8000004C;
	[dreg:$0x1] =	wrdreg $0xFFFFFFFF  }
0xa7: {  	s28 =	simm.s32 $_size_execute0_lowered;
	s3 =	sadd.s32 s3, s5;
	[dreg:$0x0] =	wrdreg $0x0  }
0xa8: {  	s5 =	sshll.u32 s28, $0x1;
	[dreg:$0x2] =	wrdreg s3  }
0xa9: {  	[dreg:$0x3] =	wrdreg s5  }
0xaa: {  	[dreg:$0x4] =	wrdreg $0xC0  }
0xab: {  	_ =	task [dreg:s7], $0x5FFFF  }
0xac: {  	[dreg:$0x1] =	wrdreg $0xFFFFFFFF  }
0xad: {  	[dreg:$0x0] =	wrdreg $0x60  }
0xae: {  	[dreg:$0x2] =	wrdreg s24  }
0xaf: {  	[dreg:$0x3] =	wrdreg s2  }
0xb0: {  	[dreg:$0x4] =	wrdreg $0x0  }
0xb1: {  	[dreg:$0x5] =	wrdreg $0x27800  }
0xb2: {  	[dreg:$0x6] =	wrdreg $0x9  }
0xb3: {  	_ =	task.clear_ibuf [dreg:s7], $0x7FFFF;
	_ =	strace $0x9000004C  }
0xb4: {  	s29 =	simm.s32 $0x9;
	_ =	strace $0x8000004E  }
0xb5: {  	_ =	swait.ge [sflag:s29], $0x1  }
0xb6: {  	[sflag:s29] =	ssyncadd.s32 $0xFFFFFFFF  }
0xb7: {  	_ =	strace $0x9000004E  }
0xb8: {  	_ =	sfence  }
0xb9: {  	s30 =	sld [smem:$0x0];
	_ =	sdelay $0x2  }
0xba: {  	s31 =	sshll.u32 s1, $0xD;
	s1 =	sshrl.u32 s1, $0x2  }
0xbb: {  	s3 =	sand.u32 $0x4000, s31;
	s1 =	sadd.s32 s1, s30  }
0xbc: {  	s0 =	sor.u32 s3, s0;
	s1 =	sshll.u32 s1, $0x11  }
0xbd: {  	s0 =	sor.u32 s1, s0  }
0xbe: {  	s0 =	sadd.s32 $0x8F2B, s0  }
0xbf: {  	[sflag:s0] =	ssyncadd.remote.s32 $0x1  }
0xc0: {  	_ =	sfence.sel $0xFFFF  }
0xc1: {  	[dreg:$0x0] =	wrdreg $0xFFFFFFFF;
	(pc) =	sbr.abs _section_cstart, $3  }
0xc2: {  	[dreg:$0x1] =	wrdreg $0xFFFFFFFF  }
0xc3: {  	_ =	task.clear_ibuf [dreg:s7], $0x2FFFF;
	_ =	strace $0x9FFFFFFF  }
0xc4: {  	(tm) =	ssettm $0x7FFFFFFF  }
0xc5: {  	_ =	shalt  }
tec
execute0_lowered:
.L_overlay_start_1:
0x0: {  	(tag) =	ssettag $0x1  }
0x1: {  	s0 =	rddreg [dreg:$0x0]  }
0x2: {  	s3 =	rddreg [dreg:$0x2];
	s2 =	srdreg.scid  }
0x3: {  	s1 =	stileid.u32;
	s4 =	rddreg [dreg:$0x3]  }
0x4: {  	s5 =	simm.s32 $0x0;
	s22 =	simm.s32 $0x1;
	s23 =	simm.s32 $0xA600  }
0x5: {  	s29 =	simm.s32 $0x0;
	s2 =	sand.u32 $0x1, s2;
	s16 =	smul.u32 $0x2780, s1  }
0x6: {  	[smem:$0x7FF] =	sst s5;
	s8 =	sadd.s32 $0x2600, s0;
	s7 =	sshll.u32 s1, $0x1  }
0x7: {  	s20 =	sshll.u32 s1, $0x6;
	s6 =	smul.u32 $0x27800, s2;
	_ =	strace $0x8000004D  }
0x8: {  	s26 =	ssub.s32 $0x2, s2;
	s7 =	sor.u32 s2, s7;
	s20 =	sor.u32 $0x1C01, s20  }
0x9: {  	p1 =	sne.s32 s2, $0x0;
	s9 =	sshrl.u32 s16, $0x3;
	s11 =	smul.u32 $0x2780, s7  }
0xa: {  	s10 =	sshrl.u32 s26, $0x1;
	s28 =	smul.u32 $0x4F0, s7;
	p0 =	seq.s32 s7, $0x1F  }
0xb: {  	s31 =	sadd.s32 s16, s3;
	s6 =	sadd.s32 s16, s6;
	s17 =	sadd.s32 s9, s0  }
0xc: {  	s19 =	ssub.s32 s26, s10;
	s9 =	sadd.s32 $0xBF10, s0;
	s10 =	sadd.s32 $0x15B50, s0  }
0xd: {  	s16 =	sadd.s32 s16, s4;
	s21 =	sshrl.u32 s31, $0x3;
	s6 =	sshrl.u32 s6, $0x3  }
0xe: {  	s30 =	sshrl.u32 s11, $0x3;
	s7 =	sadd.s32 s8, s28;
	s11 =	sadd.s32 $0x16000, s17  }
0xf: {  	s12 =	sadd.s32 $0x29E00, s17;
	s13 =	sadd.s32 $0x2ED00, s17;
	s14 =	sadd.s32 $0x33C00, s17  }
0x10: {  	s15 =	sadd.s32 $0x38C00, s17;
	s17 =	sadd.s32 $0x24E00, s17;
	s19 =	smax.u32 s19, $0x1  }
0x11: {  	s18 =	sadd.s32 s6, s0;
	s6 =	simm.s32 $0x33;
	s8 =	sadd.s32 s8, s30  }
0x12: {  	s6 =	simm.s32 @!p0 $0x4F;
	s8 =	sadd.s32 $0x9C40, s8;
	s18 =	sadd.s32 $0x1B000, s18  }
.LBB2_1:
0x13: {  	s0 =	simm.s32 @p0 $0x0;
	s2 =	simm.s32 @p0 $0x4F00  }
0x14: {  	[tilespmem:s2], [sflag:$0x1] =	stream.linear.gather @p0 [hbm4b:s9+s0], $0x1980, $0x38;
	[tilespmem:$0x14420] =	vst v63  }
0x15: {  	s2 =	simm.s32 @p0 $0x1  }
0x16: {  	_ =	swait.ge @p0 [sflag:s2], $0x1980  }
0x17: {  	[sflag:s2] =	ssyncset.done @p0 $0x0  }
0x18: {  	s30 =	simm.s32 @p0 $0x7680;
	[sflag:s2] =	ssyncadd.s32 @p0 $0xFFFFE680  }
0x19: {  	[tilespmem:s30], [sflag:$0x1] =	stream.linear.gather @p0 [hbm4b:s10+s0], $0x1980, $0x38;
	[tilespmem:$0x14420] =	vst v63  }
0x1a: {  	_ =	swait.ge @p0 [sflag:s2], $0x1980  }
0x1b: {  	[sflag:s2] =	ssyncset.done @p0 $0x0  }
0x1c: {  	s0 =	simm.s32 @!p0 $0x0;
	[sflag:s2] =	ssyncadd.s32 @p0 $0xFFFFE680;
	s2 =	simm.s32 @!p0 $0x4F00  }
0x1d: {  	[tilespmem:s2], [sflag:$0x1] =	stream.linear.gather @!p0 [hbm4b:s7+s0], $0x2780, $0x38;
	[tilespmem:$0x14420] =	vst v63  }
0x1e: {  	s2 =	simm.s32 @!p0 $0x1  }
0x1f: {  	_ =	swait.ge @!p0 [sflag:s2], $0x2780  }
0x20: {  	[sflag:s2] =	ssyncset.done @!p0 $0x0  }
0x21: {  	s30 =	simm.s32 @!p0 $0x7680;
	[sflag:s2] =	ssyncadd.s32 @!p0 $0xFFFFD880  }
0x22: {  	[tilespmem:s30], [sflag:$0x1] =	stream.linear.gather @!p0 [hbm4b:s8+s0], $0x2780, $0x38;
	[tilespmem:$0x14420] =	vst v63  }
0x23: {  	_ =	swait.ge @!p0 [sflag:s2], $0x2780  }
0x24: {  	[sflag:s2] =	ssyncset.done @!p0 $0x0  }
0x25: {  	[sflag:s2] =	ssyncadd.s32 @!p0 $0xFFFFD880  }
0x26: {  	[spmem:s21], [sflag:s20] =	dma.local [hbm:s11], $0x4F0  }
0x27: {  	_ =	swait.ge [sflag:s22], $0x4F0  }
0x28: {  	[sflag:s22] =	ssyncset.done $0x0  }
0x29: {  	[sflag:s22] =	ssyncadd.s32 $0xFFFFFB10  }
0x2a: {  	[tilespmem:s23], [sflag:$0x1] =	stream.linear.gather [hbm4b:s12+s5], $0x2780, $0x38;
	[tilespmem:$0x14420] =	vst v63  }
0x2b: {  	_ =	swait.ge [sflag:s22], $0x2780  }
0x2c: {  	[sflag:s22] =	ssyncset.done $0x0  }
0x2d: {  	s24 =	simm.s32 $0xCD80;
	[sflag:s22] =	ssyncadd.s32 $0xFFFFD880  }
0x2e: {  	[tilespmem:s24], [sflag:$0x1] =	stream.linear.gather [hbm4b:s13+s5], $0x2780, $0x38;
	[tilespmem:$0x14420] =	vst v63  }
0x2f: {  	_ =	swait.ge [sflag:s22], $0x2780  }
0x30: {  	[sflag:s22] =	ssyncset.done $0x0  }
0x31: {  	s25 =	simm.s32 $0xF500;
	[sflag:s22] =	ssyncadd.s32 $0xFFFFD880  }
0x32: {  	[tilespmem:s25], [sflag:$0x1] =	stream.linear.gather [hbm4b:s14+s5], $0x2780, $0x38;
	[tilespmem:$0x14420] =	vst v63  }
0x33: {  	_ =	swait.ge [sflag:s22], $0x2780  }
0x34: {  	[sflag:s22] =	ssyncset.done $0x0  }
0x35: {  	s26 =	simm.s32 $0x11C80;
	[sflag:s22] =	ssyncadd.s32 $0xFFFFD880  }
0x36: {  	[tilespmem:s26], [sflag:$0x1] =	stream.linear.gather [hbm4b:s15+s5], $0x2780, $0x38;
	[tilespmem:$0x14420] =	vst v63  }
0x37: {  	_ =	swait.ge [sflag:s22], $0x2780  }
0x38: {  	[sflag:s22] =	ssyncset.done $0x0  }
0x39: {  	[sflag:s22] =	ssyncadd.s32 $0xFFFFD880  }
0x3a: {  	s1 =	simm.s32 $0x14400;
	s28 =	rddreg [dreg:$0x1]  }
0x3b: {  	[tilespmem:s1], [sflag:$0x1] =	stream.linear.gather [hbm4b:s28+s5], $0x20, $0x38;
	[tilespmem:$0x14420] =	vst v63  }
0x3c: {  	_ =	swait.ge [sflag:s22], $0x20  }
0x3d: {  	[sflag:s22] =	ssyncset.done $0x0  }
0x3e: {  	s30 =	simm.s32 $0x0;
	[sflag:s22] =	ssyncadd.s32 $0xFFFFFFE0  }
0x3f: {  	s31 =	simm.s32 $0x40;
	v0 =	vld [tilespmem:s30+$0xCD80]  }
.LBB2_2:
0x40: {  	p2 =	sne.s32 s31, $0x9DC0;
	v1 =	vld [tilespmem:s30+$0xA600];
	_ =	sdelay $0x1  }
0x41: {  	v2 =	vld [tilespmem:s30+$0xF500];
	_ =	sdelay $0x1  }
0x42: {  	v3 =	vld [tilespmem:s30+$0x11C80]  }
0x43: {  	v0 =	vadd.f32 v0, v1;
	_ =	sdelay $0x1  }
0x44: {  	v0 =	vadd.f32 v2, v0;
	v1 =	vld [tilespmem:$0x14400];
	_ =	sdelay $0x1  }
0x45: {  	v0 =	vmul.f32 v0, v3;
	v2 =	vld [tilespmem:$0x14410];
	_ =	sdelay $0x1  }
0x46: {  	v0 =	vmax.f32 v0, $0.0e+00  }
0x47: {  	v0 =	vmul.f32 v0, v1;
	_ =	sdelay $0x1  }
.Ltmp0:
0x48: {  	v0 =	vadd.f32 v0, v2;
	(pc) =	sbr.rel @p2 .LBB2_2-.Ltmp0, $4  }
0x49: {  	_ = 	snop  }
0x4a: {  	v1 =	vmul.f32 v0, v3  }
0x4b: {  	s0 =	sshra.s32 s31, $0x2  }
0x4c: {  	s31 =	sadd.s32 $0x40, s31;
	v0 =	vld [tilespmem:s0+$0xCD80];
	[tilespmem:s30+$0xA600] =	vst v1;
	s30 =	smov.u32 s0  }
0x4d: {  	v1 =	vld [tilespmem:s30+$0xA600];
	_ =	sdelay $0x1  }
0x4e: {  	v2 =	vld [tilespmem:s30+$0xF500];
	_ =	sdelay $0x1  }
0x4f: {  	v3 =	vld [tilespmem:s30+$0x11C80]  }
0x50: {  	v0 =	vadd.f32 v0, v1;
	_ =	sdelay $0x1  }
0x51: {  	v62 =	vld [tilespmem:$0x14400];
	v0 =	vadd.f32 v2, v0;
	_ =	sdelay $0x1  }
0x52: {  	v63 =	vld [tilespmem:$0x14410];
	v0 =	vmul.f32 v0, v3;
	_ =	sdelay $0x1  }
0x53: {  	v0 =	vmax.f32 v0, $0.0e+00  }
0x54: {  	v0 =	vmul.f32 v0, v62;
	_ =	sdelay $0x1  }
0x55: {  	v0 =	vadd.f32 v0, v63;
	_ =	sdelay $0x1  }
0x56: {  	v0 =	vmul.f32 v0, v3;
	_ =	sdelay $0x1  }
0x57: {  	[tilespmem:s30+$0xA600] =	vst v0  }
0x58: {  	[spmem:s16] =	stream.linear.scatter [tilespmem:s23], [sflag:$0x1], $0x2780, $0x38;
	[tilespmem:$0x14420] =	vst v63  }
0x59: {  	_ =	swait.ge [sflag:s22], $0x2780  }
0x5a: {  	[sflag:s22] =	ssyncset.done $0x0  }
0x5b: {  	s0 =	simm.s32 @!p1 $0x0;
	s2 =	simm.s32 @!p1 $0xA600;
	[sflag:s22] =	ssyncadd.s32 $0xFFFFD880  }
0x5c: {  	[hbm4b:s17+s0] =	stream.linear.scatter @!p1 [tilespmem:s2], [sflag:$0x1], $0x2780, $0x38;
	[tilespmem:$0x14420] =	vst v63  }
0x5d: {  	s0 =	simm.s32 @!p1 $0x1  }
0x5e: {  	_ =	swait.ge @!p1 [sflag:s0], $0x2780  }
0x5f: {  	p2 =	sle.u32 s6, $0x0;
	[sflag:s0] =	ssyncset.done @!p1 $0x0  }
0x60: {  	s31 =	simm.s32 @!p2 $0x2;
	s30 =	simm.s32 @!p2 $0x9E00;
	[sflag:s0] =	ssyncadd.s32 @!p1 $0xFFFFD880  }
0x61: {  	s2 =	simm.s32 @!p2 $0x80;
	s0 =	simm.s32 $0x4F00;
	[bflag:$0x0] =	sbarrier.arrive $0xFFFF  }
0x62: {  	[tilespmem:s30], [sflag:$0x2] =	stream.indirect.gather @!p2 [spmem:s4], $0x10, s0, s2, $0xb8;
	[tilespmem:$0x14420] =	vst v63  }
0x63: {  	_ =	swait.ge @!p2 [sflag:s31], $0x800  }
0x64: {  	[sflag:s31] =	ssyncset.done @!p2 $0x0;
	p2 =	por p2, p2  }
0x65: {  	s0 =	simm.s32 $0x7680;
	[sflag:s31] =	ssyncadd.s32 @!p2 $0xFFFFF800  }
0x66: {  	[spmem:s3] =	stream.indirect.scatter.add.f32 @!p2 [tilespmem:s30], [sflag:$0x1], $0x10, s0, s2, $0xb8;
	[tilespmem:$0x14420] =	vst v63  }
0x67: {  	p3 =	sle.u32 s6, $0x1;
	s31 =	simm.s32 $0x4F80;
	s0 =	simm.s32 @!p2 $0x1  }
0x68: {  	s2 =	simm.s32 $0x2;
	s30 =	simm.s32 $0x7700;
	_ =	swait.ge @!p2 [sflag:s0], $0x800  }
.LBB2_4:
0x69: {  	s1 =	simm.s32 @!p3 $0x80;
	s24 =	simm.s32 @!p3 $0x9E00;
	[sflag:s0] =	ssyncset.done @!p2 $0x0  }
0x6a: {  	s25 =	smov.u32 s2;
	s26 =	smov.u32 s30;
	s2 =	sadd.s32 $0x1, s2  }
0x6b: {  	s28 =	simm.s32 @!p3 $0x2;
	[sflag:s0] =	ssyncadd.s32 @!p2 $0xFFFFF800;
	p4 =	sne.s32 s2, $0x4F  }
0x6c: {  	[tilespmem:s24], [sflag:$0x2] =	stream.indirect.gather @!p3 [spmem:s4], $0x10, s31, s1, $0xb8;
	[tilespmem:$0x14420] =	vst v63  }
.Ltmp1:
0x6d: {  	_ =	swait.ge @!p3 [sflag:s28], $0x800;
	(pc) =	sbr.rel @p4 .LBB2_4-.Ltmp1, $4  }
0x6e: {  	p2 =	por p3, p3;
	[sflag:s28] =	ssyncset.done @!p3 $0x0  }
0x6f: {  	s30 =	sadd.s32 $0x80, s30;
	s0 =	simm.s32 @!p2 $0x1;
	[sflag:s28] =	ssyncadd.s32 @!p2 $0xFFFFF800  }
0x70: {  	[spmem:s3] =	stream.indirect.scatter.add.f32 @!p2 [tilespmem:s24], [sflag:$0x1], $0x10, s26, s1, $0xb8;
	[tilespmem:$0x14420] =	vst v63  }
0x71: {  	s31 =	sadd.s32 $0x80, s31;
	p3 =	sge.u32 s25, s6;
	_ =	swait.ge @!p2 [sflag:s0], $0x800  }
0x72: {  	s1 =	simm.s32 @!p3 $0x80;
	[sflag:s0] =	ssyncset.done @!p2 $0x0  }
0x73: {  	s2 =	simm.s32 @!p3 $0x9E00;
	s24 =	simm.s32 @!p3 $0x2;
	[sflag:s0] =	ssyncadd.s32 @!p2 $0xFFFFF800  }
0x74: {  	[tilespmem:s2], [sflag:$0x2] =	stream.indirect.gather @!p3 [spmem:s4], $0x10, s31, s1, $0xb8;
	[tilespmem:$0x14420] =	vst v63  }
0x75: {  	_ =	swait.ge @!p3 [sflag:s24], $0x800  }
0x76: {  	p2 =	por p3, p3;
	[sflag:s24] =	ssyncset.done @!p3 $0x0  }
0x77: {  	s0 =	simm.s32 @!p2 $0x1;
	[sflag:s24] =	ssyncadd.s32 @!p2 $0xFFFFF800  }
0x78: {  	[spmem:s3] =	stream.indirect.scatter.add.f32 @!p2 [tilespmem:s2], [sflag:$0x1], $0x10, s30, s1, $0xb8;
	[tilespmem:$0x14420] =	vst v63  }
0x79: {  	_ =	swait.ge @!p2 [sflag:s0], $0x800  }
0x7a: {  	s29 =	sadd.s32 $0x1, s29;
	[sflag:s0] =	ssyncset.done @!p2 $0x0  }
0x7b: {  	[sflag:s0] =	ssyncadd.s32 @!p2 $0xFFFFF800;
	p2 =	sne.s32 s29, s19  }
.Ltmp2:
0x7c: {  	[bflag:$0x0] =	sbarrier.arrive $0xFFFF;
	(pc) =	sbr.rel @p2 .LBB2_1-.Ltmp2, $4  }
0x7d: {  	[hbm:s18], [sflag:s20] =	dma.local [spmem:s21], $0x4F0  }
0x7e: {  	_ =	swait.ge [sflag:s22], $0x4F0  }
0x7f: {  	[sflag:s22] =	ssyncset.done $0x0  }
0x80: {  	[sflag:s22] =	ssyncadd.s32 $0xFFFFFB10  }
0x81: {  	_ =	sfence.sel $0x180000  }
0x82: {  	[bflag:$0x0] =	sbarrier.arrive $0xFFFF  }
0x83: {  	_ =	strace $0x9000004D  }
0x84: {  	s0 =	stileid.u32;
	[bflag:$0x2] =	sbarrier.arrive $0xFFFF  }
0x85: {  	p0 =	sne.s32 s0, $0x0;
	s0 =	rddreg [dreg:$0x4]  }
0x86: {  	s0 =	sadd.s32 @!p0 $0x100000, s0  }
0x87: {  	[sflag:s0] =	ssyncadd.tile.s32 @!p0 $0x1;
	_ =	shalt  }
.Lfunc_end2:
_tile_overlayer_lowered:
.L_overlay_start_2:
0x88: {  	(tag) =	ssettag $0x2  }
0x89: {  	s0 =	rddreg [dreg:$0x0];
	s2 =	stileid.u32  }
0x8a: {  	s1 =	rddreg [dreg:$0x1];
	p0 =	sne.s32 s2, $0x0  }
0x8b: {  	s3 =	rddreg [dreg:$0x2];
	[bflag:$0x3] =	sbarrier.arrive $0xFFFF;
	s2 =	simm.s32 @!p0 $0x1C01  }
0x8c: {  	[timem:s3], [sflag:s2] =	dma.local @!p0 [hbm:s0], s1  }
0x8d: {  	s0 =	simm.s32 @!p0 $0x1  }
0x8e: {  	_ =	swait.ge @!p0 [sflag:s0], s1  }
0x8f: {  	s1 =	ssub.s32 @!p0 $0x0, s1;
	[sflag:s0] =	ssyncset.done @!p0 $0x0  }
0x90: {  	[sflag:s0] =	ssyncadd.s32 @!p0 s1  }
0x91: {  	[bflag:$0x3] =	sbarrier.arrive $0xFFFF  }
0x92: {  	_ =	shalt  }

// kernel: kernel.16.cloned.1.call-start
scs
__scs_entry_jumppad:
0x0: {  	(pc) =	sbr.rel $0x88, $3  }
0x1: {  	(tag) =	ssettag $0x0;
	lr =	simm.s32 $0x1  }
0x2: {  	[smem:$0x3F9B] =	sst lr;
	_ =	strace $0xD0000000  }
0x3: {  	_ = 	snop  }
0x4: {  	_ = 	snop  }
0x5: {  	_ = 	snop  }
0x6: {  	_ = 	snop  }
0x7: {  	_ = 	snop  }
__scs_overlays_trampoline_lowered:
0x8: {  	[smem:$0x3FAA] =	sst s0  }
0x9: {  	[smem:$0x3FAB] =	sst s1  }
0xa: {  	[smem:$0x3FAC] =	sst s2  }
0xb: {  	[smem:$0x3FAD] =	sst s3  }
0xc: {  	[smem:$0x3FAE] =	sst s4  }
0xd: {  	[smem:$0x3FAF] =	sst s5  }
0xe: {  	[smem:$0x3FB0] =	sst s6  }
0xf: {  	[smem:$0x3FB1] =	sst s7  }
0x10: {  	[smem:$0x3FB2] =	sst s8  }
0x11: {  	[smem:$0x3FB3] =	sst s9;
	s0 =	simm.s32 @!p0 $0x0  }
0x12: {  	s1 =	sld [smem:$0x3F99];
	s0 =	simm.s32 @p0 $0x1  }
0x13: {  	[smem:$0x3FB4] =	sst s0;
	s0 =	simm.s32 @!p1 $0x0  }
0x14: {  	s2 =	sld [smem:$0x3F98];
	s0 =	simm.s32 @p1 $0x1  }
0x15: {  	[smem:$0x3FB5] =	sst s0;
	s0 =	simm.s32 @!p2 $0x0  }
0x16: {  	s3 =	sld [smem:$0x3FDB];
	s0 =	simm.s32 @p2 $0x1  }
0x17: {  	s4 =	simm.s32 $0x1BF5;
	[smem:$0x3FB7] =	sst s0  }
0x18: {  	s0 =	sld [smem:$0x3F9A];
	_ =	swait.ge [sflag:s4], $0x0  }
0x19: {  	s7 =	sld [smem:$0x3F9B]  }
0x1a: {  	s8 =	sadd.s32 $0xFFFFE003, lr  }
0x1b: {  	s9 =	sadd.s32 $0xFFFFFEF7, lr;
	s5 =	simm.s32 $0xFFFFFFFF;
	p2 =	slt.u32 s8, $0xFFFFF086  }
0x1c: {  	p1 =	slt.u32 s9, $0xF7A;
	s5 =	simm.s32 @!p2 $0x0  }
0x1d: {  	s5 =	simm.s32 @p1 $0x1;
	p0 =	seq.s32 s7, s2  }
0x1e: {  	s7 =	smul.u32 @!p0 $0xF7A, s2;
	p2 =	seq.s32 @!p0 s5, $0x0  }
0x1f: {  	s9 =	smul.u32 $0xF7A, s1;
	s8 =	simm.s32 @!p0 $0x1BF5;
	p2 =	por !p2, p0  }
0x20: {  	[sflag:s8] =	ssyncset.s32 @!p0 $0xFFFFF086;
	s6 =	sadd.s32 @!p0 s3, s7;
	s7 =	simm.s32 @!p0 $0x108  }
0x21: {  	s3 =	sadd.s32 s3, s9;
	s6 =	sadd.s32 @!p0 $0x88, s6;
	s7 =	simm.s32 @p2 $0x1082  }
0x22: {  	[simem:s7], [sflag:s8] =	dma.local @!p0 [hbm:s6], $0xF7A  }
0x23: {  	s9 =	sor.u32 $0xD0000000, s2;
	s6 =	simm.s32 $0x108;
	_ =	swait.ge @!p0 [sflag:s8], $0x0  }
0x24: {  	s3 =	sadd.s32 $0x88, s3;
	s6 =	simm.s32 @!p1 $0x1082;
	[sflag:s4] =	ssyncset.s32 $0xFFFFF086  }
0x25: {  	[simem:s6], [sflag:s4] =	dma.local [hbm:s3], $0xF7A  }
0x26: {  	[smem:$0x3F9B] =	sst s1;
	(tag) =	ssettag s2;
	_ =	strace s9  }
0x27: {  	s1 =	sld [smem:$0x3FAB]  }
0x28: {  	s2 =	sld [smem:$0x3FAC]  }
0x29: {  	s4 =	sld [smem:$0x3FAE]  }
0x2a: {  	p0 =	seq.s32 s5, $0x0;
	s5 =	sld [smem:$0x3FAF]  }
0x2b: {  	s6 =	sld [smem:$0x3FB0]  }
0x2c: {  	s7 =	sld [smem:$0x3FB1]  }
0x2d: {  	s3 =	simm.s32 $0x108;
	s8 =	sld [smem:$0x3FB2]  }
0x2e: {  	s3 =	simm.s32 @!p0 $0x1082;
	s9 =	sld [smem:$0x3FB3]  }
0x2f: {  	lr =	sadd.s32 s0, s3;
	s0 =	sld [smem:$0x3FAA]  }
0x30: {  	s3 =	sld [smem:$0x3FAD]  }
0x31: {  	[smem:$0x3FB6] =	sst s10  }
0x32: {  	s10 =	sld [smem:$0x3FB4];
	_ =	sdelay $0x3  }
0x33: {  	p0 =	seq.s32 s10, $0x1;
	s10 =	sld [smem:$0x3FB6];
	_ =	sdelay $0x3  }
0x34: {  	[smem:$0x3FB6] =	sst s10  }
0x35: {  	s10 =	sld [smem:$0x3FB5];
	_ =	sdelay $0x3  }
0x36: {  	p1 =	seq.s32 s10, $0x1;
	s10 =	sld [smem:$0x3FB6];
	_ =	sdelay $0x3  }
0x37: {  	[smem:$0x3FB6] =	sst s10  }
0x38: {  	s10 =	sld [smem:$0x3FB7]  }
0x39: {  	_ = 	snop;
	(pc) =	sbr.ind lr, $3  }
0x3a: {  	_ = 	snop  }
0x3b: {  	_ = 	snop  }
0x3c: {  	p2 =	seq.s32 s10, $0x1;
	s10 =	sld [smem:$0x3FB6]  }
0x3d: {  	_ =	shalt  }
0x3e: {  	_ =	shalt  }
0x3f: {  	_ =	shalt  }
0x40: {  	_ =	shalt  }
0x41: {  	_ =	shalt  }
0x42: {  	_ =	shalt  }
0x43: {  	_ =	shalt  }
0x44: {  	_ =	shalt  }
0x45: {  	_ =	shalt  }
0x46: {  	_ =	shalt  }
0x47: {  	_ =	shalt  }
0x48: {  	_ =	shalt  }
0x49: {  	_ =	shalt  }
0x4a: {  	_ =	shalt  }
0x4b: {  	_ =	shalt  }
0x4c: {  	_ =	shalt  }
0x4d: {  	_ =	shalt  }
0x4e: {  	_ =	shalt  }
0x4f: {  	_ =	shalt  }
0x50: {  	_ =	shalt  }
0x51: {  	_ =	shalt  }
0x52: {  	_ =	shalt  }
0x53: {  	_ =	shalt  }
0x54: {  	_ =	shalt  }
0x55: {  	_ =	shalt  }
0x56: {  	_ =	shalt  }
0x57: {  	_ =	shalt  }
0x58: {  	_ =	shalt  }
0x59: {  	_ =	shalt  }
0x5a: {  	_ =	shalt  }
0x5b: {  	_ =	shalt  }
0x5c: {  	_ =	shalt  }
0x5d: {  	_ =	shalt  }
0x5e: {  	_ =	shalt  }
0x5f: {  	_ =	shalt  }
0x60: {  	_ =	shalt  }
0x61: {  	_ =	shalt  }
0x62: {  	_ =	shalt  }
0x63: {  	_ =	shalt  }
0x64: {  	_ =	shalt  }
0x65: {  	_ =	shalt  }
0x66: {  	_ =	shalt  }
0x67: {  	_ =	shalt  }
0x68: {  	_ =	shalt  }
0x69: {  	_ =	shalt  }
0x6a: {  	_ =	shalt  }
0x6b: {  	_ =	shalt  }
0x6c: {  	_ =	shalt  }
0x6d: {  	_ =	shalt  }
0x6e: {  	_ =	shalt  }
0x6f: {  	_ =	shalt  }
0x70: {  	_ =	shalt  }
0x71: {  	_ =	shalt  }
0x72: {  	_ =	shalt  }
0x73: {  	_ =	shalt  }
0x74: {  	_ =	shalt  }
0x75: {  	_ =	shalt  }
0x76: {  	_ =	shalt  }
0x77: {  	_ =	shalt  }
0x78: {  	_ =	shalt  }
0x79: {  	_ =	shalt  }
0x7a: {  	_ =	shalt  }
0x7b: {  	_ =	shalt  }
0x7c: {  	_ =	shalt  }
0x7d: {  	_ =	shalt  }
0x7e: {  	_ =	shalt  }
0x7f: {  	_ =	shalt  }
0x80: {  	_ =	shalt  }
0x81: {  	_ =	shalt  }
0x82: {  	_ =	shalt  }
0x83: {  	_ =	shalt  }
0x84: {  	_ =	shalt  }
0x85: {  	_ =	shalt  }
0x86: {  	_ =	shalt  }
0x87: {  	_ =	shalt  }
.Lfunc_end0:
.L_simem_size_0:
called_computation.3_lowered:
.L_overlay_start_0:
0x88: {  	s2 =	sld [smem:$0x3FD9]  }
0x89: {  	s3 =	sld [smem:$0x3FFE];
	_ =	sdelay $0x1  }
0x8a: {  	s1 =	srdreg.scid  }
0x8b: {  	s0 =	sand.u32 $0x1, s1  }
0x8c: {  	s16 =	sshll.u32 s0, $0xA;
	s2 =	sadd.s32 s3, s2  }
0x8d: {  	s2 =	sadd.s32 s2, s16  }
0x8e: {  	[smem:$0x3FC2] =	sst s2  }
0x8f: {  	_ = 	snop  }
0x90: {  	(tm) =	ssettm $0x1  }
0x91: {  	s17 =	sld [smem:$0x3FFB];
	_ =	sdelay $0x3  }
0x92: {  	_ =	strace s17  }
0x93: {  	s2 =	sld [smem:$0x3FFC];
	_ =	sdelay $0x3  }
0x94: {  	_ =	strace s2  }
0x95: {  	s2 =	sld [smem:$0x3FFD];
	_ =	sdelay $0x3  }
0x96: {  	_ =	strace s2  }
0x97: {  	_ =	strace $0x8FFFFFFF  }
0x98: {  	s18 =	sld [smem:$0x3FDB];
	_ =	sdelay $0x1  }
0x99: {  	s19 =	simm.s32 $_scs_section_size  }
0x9a: {  	s4 =	simm.s32 $_size__tile_overlayer_lowered;
	s5 =	simm.s32 $_tile_overlayer_lowered  }
0x9b: {  	s22 =	simm.s32 $0x1BFF;
	s21 =	sshll.u32 s5, $0x1;
	s2 =	sadd.s32 s19, s18  }
0x9c: {  	s6 =	simm.s32 $0x0;
	s20 =	sshll.u32 s4, $0x1;
	s4 =	sadd.s32 s21, s2  }
0x9d: {  	[timem:s6], [sflag:s22] =	dma.local [hbm:s4], s20  }
0x9e: {  	_ =	swait.ge [sflag:s22], s20  }
0x9f: {  	s3 =	ssub.s32 $0x0, s20;
	[sflag:s22] =	ssyncset.done $0x0  }
0xa0: {  	[sflag:s22] =	ssyncadd.s32 s3;
	_ =	sdelay $0x1  }
0xa1: {  	s23 =	simm.s32 $0x1B8B  }
0xa2: {  	_ =	swait.ge [sflag:s23], $0x1  }
0xa3: {  	[sflag:s23] =	ssyncset.done $0x0  }
0xa4: {  	s25 =	simm.s32 $0x1B8E;
	s24 =	sld [smem:$0x3FFE];
	[sflag:s23] =	ssyncadd.s32 $0xFFFFFFFF  }
0xa5: {  	s26 =	simm.s32 $execute0_lowered;
	[smem:$0x3FD2] =	sst s25  }
0xa6: {  	s4 =	sshll.u32 s26, $0x1;
	_ =	strace $0x8000004F;
	[dreg:$0x1] =	wrdreg $0xFFFFFFFF  }
0xa7: {  	s28 =	simm.s32 $_size_execute0_lowered;
	s2 =	sadd.s32 s2, s4;
	[dreg:$0x0] =	wrdreg $0x0  }
0xa8: {  	s4 =	sshll.u32 s28, $0x1;
	[dreg:$0x2] =	wrdreg s2  }
0xa9: {  	[dreg:$0x3] =	wrdreg s4  }
0xaa: {  	[dreg:$0x4] =	wrdreg $0xC0  }
0xab: {  	_ =	task [dreg:s6], $0x5FFFF  }
0xac: {  	[dreg:$0x1] =	wrdreg $0xFFFFFFFF  }
0xad: {  	[dreg:$0x0] =	wrdreg $0x60  }
0xae: {  	[dreg:$0x2] =	wrdreg s24  }
0xaf: {  	[dreg:$0x3] =	wrdreg $0x9  }
0xb0: {  	_ =	task.clear_ibuf [dreg:s6], $0x4FFFF;
	_ =	strace $0x9000004F  }
0xb1: {  	s29 =	simm.s32 $0x9;
	_ =	strace $0x80000051  }
0xb2: {  	_ =	swait.ge [sflag:s29], $0x1  }
0xb3: {  	[sflag:s29] =	ssyncadd.s32 $0xFFFFFFFF  }
0xb4: {  	_ =	strace $0x90000051  }
0xb5: {  	_ =	sfence  }
0xb6: {  	s30 =	sld [smem:$0x0];
	_ =	sdelay $0x2  }
0xb7: {  	s31 =	sshll.u32 s1, $0xD;
	s1 =	sshrl.u32 s1, $0x2  }
0xb8: {  	s3 =	sand.u32 $0x4000, s31;
	s1 =	sadd.s32 s1, s30  }
0xb9: {  	s0 =	sor.u32 s3, s0;
	s1 =	sshll.u32 s1, $0x11  }
0xba: {  	s0 =	sor.u32 s1, s0  }
0xbb: {  	s0 =	sadd.s32 $0x8F2B, s0  }
0xbc: {  	[sflag:s0] =	ssyncadd.remote.s32 $0x1  }
0xbd: {  	_ =	sfence.sel $0xFFFF  }
0xbe: {  	[dreg:$0x0] =	wrdreg $0xFFFFFFFF;
	(pc) =	sbr.abs _section_cstart, $3  }
0xbf: {  	[dreg:$0x1] =	wrdreg $0xFFFFFFFF  }
0xc0: {  	_ =	task.clear_ibuf [dreg:s6], $0x2FFFF;
	_ =	strace $0x9FFFFFFF  }
0xc1: {  	(tm) =	ssettm $0x7FFFFFFF  }
tec
execute0_lowered:
.L_overlay_start_1:
0x0: {  	(tag) =	ssettag $0x1  }
0x1: {  	v0 =	vimm.s32 $0xFEDCBA98;
	v1 =	vimm.s32 $0x76543210  }
0x2: {  	v2 =	vimm.s32 $0xBA98FEDC;
	v3 =	vimm.s32 $0x32107654;
	v4 =	vimm.s32 $0xDCFE98BA  }
0x3: {  	s1 =	srdreg.scid;
	v5 =	vimm.s32 $0x54761032;
	v6 =	vimm.s32 $0xEFCDAB89;
	v7 =	vimm.s32 $0x67452301  }
0x4: {  	s0 =	stileid.u32;
	s5 =	rddreg [dreg:$0x0];
	s2 =	simm.s32 $0x0;
	v0 =	vunpack.c.l.s4.s8 v0;
	v1 =	vunpack.c.l.s4.s8 v1;
	v2 =	vunpack.c.l.s4.s8 v2  }
0x5: {  	s9 =	simm.s32 $0x1;
	s3 =	sand.u32 $0x1, s1;
	s31 =	sshll.u32 s0, $0x1;
	v3 =	vunpack.c.l.s4.s8 v3;
	v4 =	vunpack.c.l.s4.s8 v4;
	v5 =	vunpack.c.l.s4.s8 v5  }
0x6: {  	s10 =	simm.s32 $0x13C0;
	s11 =	simm.s32 $0x2780;
	v6 =	vunpack.c.l.s4.s8 v6;
	v7 =	vunpack.c.l.s4.s8 v7;
	s1 =	sor.u32 s3, s31;
	v0 =	vunpack.c.0.s8.s32 v0  }
0x7: {  	s12 =	simm.s32 $0x3B40;
	s13 =	simm.s32 $0x4F00;
	s4 =	smul.u32 $0x13C0, s1;
	v2 =	vunpack.c.0.s8.s32 v2;
	v3 =	vunpack.c.0.s8.s32 v3;
	v4 =	vunpack.c.0.s8.s32 v4  }
0x8: {  	s14 =	simm.s32 $0x0;
	[smem:$0x7FF] =	sst s2;
	s3 =	ssub.s32 $0x2, s3;
	v5 =	vunpack.c.0.s8.s32 v5;
	v6 =	vunpack.c.0.s8.s32 v6;
	v7 =	vunpack.c.0.s8.s32 v7  }
0x9: {  	s1 =	rddreg [dreg:$0x1];
	s6 =	sshrl.u32 s3, $0x1;
	v1 =	vunpack.c.0.s8.s32 v1;
	s4 =	sshrl.u32 s4, $0x3;
	v2 =	vcombine.low v3, v2  }
0xa: {  	_ =	strace $0x80000050;
	s8 =	ssub.s32 s3, s6;
	v3 =	vcombine.low v5, v4;
	v4 =	vcombine.low v7, v6;
	v0 =	vand.u32 $0xF, v0;
	s7 =	sadd.s32 s4, s5  }
0xb: {  	s8 =	smax.u32 s8, $0x1;
	v0 =	vcombine.low v0, v1;
	s3 =	sadd.s32 $0x1B000, s7;
	s4 =	sadd.s32 $0x1FF00, s7  }
0xc: {  	s5 =	sadd.s32 $0x24E00, s7;
	s6 =	sadd.s32 $0x38C00, s7;
	s7 =	sadd.s32 $0x29E00, s7;
	v1 =	vand.u32 $0xF, v2;
	v2 =	vand.u32 $0xF, v3;
	v3 =	vand.u32 $0xF, v4  }
.LBB2_1:
0xd: {  	[tilespmem:s2], [sflag:$0x1] =	stream.linear.gather [hbm4b:s3+s2], $0x13C0, $0x38;
	[tilespmem:$0x4F10] =	vst v63  }
0xe: {  	_ =	swait.ge [sflag:s9], $0x13C0  }
0xf: {  	[sflag:s9] =	ssyncset.done $0x0  }
0x10: {  	[sflag:s9] =	ssyncadd.s32 $0xFFFFEC40  }
0x11: {  	[tilespmem:s10], [sflag:$0x1] =	stream.linear.gather [hbm4b:s4+s2], $0x13C0, $0x38;
	[tilespmem:$0x4F10] =	vst v63  }
0x12: {  	_ =	swait.ge [sflag:s9], $0x13C0  }
0x13: {  	[sflag:s9] =	ssyncset.done $0x0  }
0x14: {  	[sflag:s9] =	ssyncadd.s32 $0xFFFFEC40  }
0x15: {  	[tilespmem:s11], [sflag:$0x1] =	stream.linear.gather [hbm4b:s5+s2], $0x13C0, $0x38;
	[tilespmem:$0x4F10] =	vst v63  }
0x16: {  	_ =	swait.ge [sflag:s9], $0x13C0  }
0x17: {  	[sflag:s9] =	ssyncset.done $0x0  }
0x18: {  	[sflag:s9] =	ssyncadd.s32 $0xFFFFEC40  }
0x19: {  	[tilespmem:s12], [sflag:$0x1] =	stream.linear.gather [hbm4b:s6+s2], $0x13C0, $0x38;
	[tilespmem:$0x4F10] =	vst v63  }
0x1a: {  	_ =	swait.ge [sflag:s9], $0x13C0  }
0x1b: {  	[sflag:s9] =	ssyncset.done $0x0  }
0x1c: {  	s15 =	simm.s32 $0x0;
	[sflag:s9] =	ssyncadd.s32 $0xFFFFEC40  }
0x1d: {  	v4 =	vld [tilespmem:s15+$0x13C0]  }
0x1e: {  	v5 =	vld [tilespmem:s15+$0x0];
	_ =	sdelay $0x1  }
0x1f: {  	v6 =	vld [tilespmem:s15+$0x2780];
	_ =	sdelay $0x2  }
0x20: {  	v4 =	vadd.f32 v4, v5;
	_ =	sdelay $0x1  }
0x21: {  	v4 =	vadd.f32 v6, v4;
	_ =	sdelay $0x1  }
0x22: {  	[tilespmem:$0x4F00] =	vst v4  }
0x23: {  	v5 =	vld.idx.msk [tilespmem:v0+s13+$0x0], $0xffff;
	_ =	sdelay $0x4  }
0x24: {  	v4 =	vadd.f32 v5, v4;
	_ =	sdelay $0x1  }
0x25: {  	[tilespmem:$0x4F00] =	vst v4  }
0x26: {  	v5 =	vld.idx.msk [tilespmem:v1+s13+$0x0], $0xffff;
	_ =	sdelay $0x4  }
0x27: {  	v4 =	vadd.f32 v5, v4;
	_ =	sdelay $0x1  }
0x28: {  	[tilespmem:$0x4F00] =	vst v4  }
0x29: {  	v5 =	vld.idx.msk [tilespmem:v2+s13+$0x0], $0xffff;
	_ =	sdelay $0x4  }
0x2a: {  	v4 =	vadd.f32 v5, v4;
	_ =	sdelay $0x1  }
0x2b: {  	[tilespmem:$0x4F00] =	vst v4  }
0x2c: {  	v5 =	vld.idx.msk [tilespmem:v3+s13+$0x0], $0xffff;
	_ =	sdelay $0x1  }
0x2d: {  	v63 =	vld [tilespmem:s15+$0x3B40];
	_ =	sdelay $0x2  }
0x2e: {  	v4 =	vadd.f32 v5, v4;
	_ =	sdelay $0x1  }
0x2f: {  	v4 =	vmul.f32 v63, v4;
	_ =	sdelay $0x1  }
0x30: {  	v4 =	vsub.f32 $0.0e+00, v4;
	_ =	sdelay $0x1  }
0x31: {  	v4 =	vmul.f32 $1.442695020e+00, v4;
	_ =	sdelay $0x1  }
0x32: {  	(erf) = vpow2.f32 v4;
	_ =	sdelay $0x8  }
0x33: {  	v4 =	vpop (erf)  }
0x34: {  	v4 =	vadd.f32 $1.000000000e+00, v4;
	_ =	sdelay $0x1  }
0x35: {  	s16 =	simm.s32 $0x40;
	s17 =	simm.s32 $0x80;
	(erf) = vrcp.f32 v4  }
.LBB2_2:
0x36: {  	_ =	sdelay $0x6  }
0x37: {  	p0 =	sne.s32 s17, $0x4EC0  }
0x38: {  	s18 =	sshra.s32 s16, $0x2;
	s16 =	smov.u32 s17;
	s17 =	sadd.s32 $0x40, s17;
	v4 =	vpop (erf)  }
0x39: {  	v5 =	vld [tilespmem:s18+$0x13C0];
	[tilespmem:s15+$0x0] =	vst v4;
	s15 =	smov.u32 s18  }
0x3a: {  	v4 =	vld [tilespmem:s15+$0x0]  }
0x3b: {  	v6 =	vld [tilespmem:s15+$0x2780];
	_ =	sdelay $0x3  }
0x3c: {  	v4 =	vadd.f32 v5, v4;
	_ =	sdelay $0x1  }
0x3d: {  	v4 =	vadd.f32 v6, v4;
	_ =	sdelay $0x1  }
0x3e: {  	[tilespmem:$0x4F00] =	vst v4  }
0x3f: {  	v5 =	vld.idx.msk [tilespmem:v0+s13+$0x0], $0xffff;
	_ =	sdelay $0x5  }
0x40: {  	v4 =	vadd.f32 v5, v4;
	_ =	sdelay $0x1  }
0x41: {  	[tilespmem:$0x4F00] =	vst v4  }
0x42: {  	v5 =	vld.idx.msk [tilespmem:v1+s13+$0x0], $0xffff;
	_ =	sdelay $0x5  }
0x43: {  	v4 =	vadd.f32 v5, v4;
	_ =	sdelay $0x1  }
0x44: {  	[tilespmem:$0x4F00] =	vst v4  }
0x45: {  	v5 =	vld.idx.msk [tilespmem:v2+s13+$0x0], $0xffff;
	_ =	sdelay $0x5  }
0x46: {  	v4 =	vadd.f32 v5, v4;
	_ =	sdelay $0x1  }
0x47: {  	[tilespmem:$0x4F00] =	vst v4  }
0x48: {  	v5 =	vld.idx.msk [tilespmem:v3+s13+$0x0], $0xffff  }
0x49: {  	v6 =	vld [tilespmem:s15+$0x3B40];
	_ =	sdelay $0x4  }
0x4a: {  	v4 =	vadd.f32 v5, v4;
	_ =	sdelay $0x1  }
0x4b: {  	v4 =	vmul.f32 v6, v4;
	_ =	sdelay $0x1  }
0x4c: {  	v4 =	vsub.f32 $0.0e+00, v4;
	_ =	sdelay $0x1  }
0x4d: {  	v4 =	vmul.f32 $1.442695020e+00, v4;
	_ =	sdelay $0x1  }
0x4e: {  	(erf) = vpow2.f32 v4;
	_ =	sdelay $0x7  }
.Ltmp0:
0x4f: {  	(pc) =	sbr.rel @p0 .LBB2_2-.Ltmp0, $3  }
0x50: {  	v4 =	vpop (erf)  }
0x51: {  	v4 =	vadd.f32 $1.000000000e+00, v4;
	_ =	sdelay $0x1  }
0x52: {  	(erf) = vrcp.f32 v4  }
0x53: {  	_ =	sdelay $0x7  }
0x54: {  	s16 =	sshra.s32 s16, $0x2;
	v4 =	vpop (erf)  }
0x55: {  	v5 =	vld [tilespmem:s16+$0x13C0];
	[tilespmem:s15+$0x0] =	vst v4  }
0x56: {  	v4 =	vld [tilespmem:s16+$0x0];
	_ =	sdelay $0x1  }
0x57: {  	v6 =	vld [tilespmem:s16+$0x2780];
	_ =	sdelay $0x2  }
0x58: {  	v4 =	vadd.f32 v5, v4;
	_ =	sdelay $0x1  }
0x59: {  	v4 =	vadd.f32 v6, v4;
	_ =	sdelay $0x1  }
0x5a: {  	[tilespmem:$0x4F00] =	vst v4  }
0x5b: {  	v5 =	vld.idx.msk [tilespmem:v0+s13+$0x0], $0xffff;
	_ =	sdelay $0x4  }
0x5c: {  	v4 =	vadd.f32 v5, v4;
	_ =	sdelay $0x1  }
0x5d: {  	[tilespmem:$0x4F00] =	vst v4  }
0x5e: {  	v5 =	vld.idx.msk [tilespmem:v1+s13+$0x0], $0xffff;
	_ =	sdelay $0x4  }
0x5f: {  	v4 =	vadd.f32 v5, v4;
	_ =	sdelay $0x1  }
0x60: {  	[tilespmem:$0x4F00] =	vst v4  }
0x61: {  	v5 =	vld.idx.msk [tilespmem:v2+s13+$0x0], $0xffff;
	_ =	sdelay $0x4  }
0x62: {  	v4 =	vadd.f32 v5, v4;
	_ =	sdelay $0x1  }
0x63: {  	[tilespmem:$0x4F00] =	vst v4  }
0x64: {  	v5 =	vld.idx.msk [tilespmem:v3+s13+$0x0], $0xffff;
	_ =	sdelay $0x1  }
0x65: {  	v63 =	vld [tilespmem:s16+$0x3B40];
	_ =	sdelay $0x2  }
0x66: {  	v4 =	vadd.f32 v5, v4;
	_ =	sdelay $0x1  }
0x67: {  	v4 =	vmul.f32 v63, v4;
	_ =	sdelay $0x1  }
0x68: {  	v4 =	vsub.f32 $0.0e+00, v4;
	_ =	sdelay $0x1  }
0x69: {  	v4 =	vmul.f32 $1.442695020e+00, v4;
	_ =	sdelay $0x1  }
0x6a: {  	(erf) = vpow2.f32 v4;
	_ =	sdelay $0x8  }
0x6b: {  	v4 =	vpop (erf)  }
0x6c: {  	v4 =	vadd.f32 $1.000000000e+00, v4;
	_ =	sdelay $0x1  }
0x6d: {  	(erf) = vrcp.f32 v4;
	_ =	sdelay $0x7  }
0x6e: {  	s14 =	sadd.s32 $0x1, s14  }
0x6f: {  	p0 =	sne.s32 s14, s8;
	v4 =	vpop (erf)  }
.Ltmp1:
0x70: {  	[tilespmem:s16+$0x0] =	vst v4;
	(pc) =	sbr.rel @p0 .LBB2_1-.Ltmp1, $4  }
0x71: {  	[hbm4b:s7+s2] =	stream.linear.scatter [tilespmem:s2], [sflag:$0x1], $0x13C0, $0x38;
	[tilespmem:$0x4F10] =	vst v63  }
0x72: {  	_ =	swait.ge [sflag:s9], $0x13C0  }
0x73: {  	[sflag:s9] =	ssyncset.done $0x0  }
0x74: {  	[sflag:s9] =	ssyncadd.s32 $0xFFFFEC40  }
0x75: {  	_ =	sfence.sel $0x180000  }
0x76: {  	[bflag:$0x0] =	sbarrier.arrive $0xFFFF  }
0x77: {  	p0 =	sne.s32 s0, $0x0;
	_ =	strace $0x90000050  }
0x78: {  	s0 =	sadd.s32 @!p0 $0x100000, s1;
	[bflag:$0x2] =	sbarrier.arrive $0xFFFF  }
0x79: {  	[sflag:s0] =	ssyncadd.tile.s32 @!p0 $0x1;
	_ =	shalt  }
.Lfunc_end2:
_tile_overlayer_lowered:
.L_overlay_start_2:
0x7a: {  	(tag) =	ssettag $0x2  }
0x7b: {  	s0 =	rddreg [dreg:$0x0];
	s2 =	stileid.u32  }
0x7c: {  	s1 =	rddreg [dreg:$0x1];
	p0 =	sne.s32 s2, $0x0  }
0x7d: {  	s3 =	rddreg [dreg:$0x2];
	[bflag:$0x3] =	sbarrier.arrive $0xFFFF;
	s2 =	simm.s32 @!p0 $0x1C01  }
0x7e: {  	[timem:s3], [sflag:s2] =	dma.local @!p0 [hbm:s0], s1  }
0x7f: {  	s0 =	simm.s32 @!p0 $0x1  }
0x80: {  	_ =	swait.ge @!p0 [sflag:s0], s1  }
0x81: {  	s1 =	ssub.s32 @!p0 $0x0, s1;
	[sflag:s0] =	ssyncset.done @!p0 $0x0  }
0x82: {  	[sflag:s0] =	ssyncadd.s32 @!p0 s1  }
0x83: {  	[bflag:$0x3] =	sbarrier.arrive $0xFFFF  }
0x84: {  	_ =	shalt  }

// kernel: kernel.7.cloned.1.call-start
scs
__scs_entry_jumppad:
0x0: {  	(pc) =	sbr.rel $0x88, $3  }
0x1: {  	(tag) =	ssettag $0x0;
	lr =	simm.s32 $0x1  }
0x2: {  	[smem:$0x3F9B] =	sst lr;
	_ =	strace $0xD0000000  }
0x3: {  	_ = 	snop  }
0x4: {  	_ = 	snop  }
0x5: {  	_ = 	snop  }
0x6: {  	_ = 	snop  }
0x7: {  	_ = 	snop  }
__scs_overlays_trampoline_lowered:
0x8: {  	[smem:$0x3FAA] =	sst s0  }
0x9: {  	[smem:$0x3FAB] =	sst s1  }
0xa: {  	[smem:$0x3FAC] =	sst s2  }
0xb: {  	[smem:$0x3FAD] =	sst s3  }
0xc: {  	[smem:$0x3FAE] =	sst s4  }
0xd: {  	[smem:$0x3FAF] =	sst s5  }
0xe: {  	[smem:$0x3FB0] =	sst s6  }
0xf: {  	[smem:$0x3FB1] =	sst s7  }
0x10: {  	[smem:$0x3FB2] =	sst s8  }
0x11: {  	[smem:$0x3FB3] =	sst s9;
	s0 =	simm.s32 @!p0 $0x0  }
0x12: {  	s1 =	sld [smem:$0x3F99];
	s0 =	simm.s32 @p0 $0x1  }
0x13: {  	[smem:$0x3FB4] =	sst s0;
	s0 =	simm.s32 @!p1 $0x0  }
0x14: {  	s2 =	sld [smem:$0x3F98];
	s0 =	simm.s32 @p1 $0x1  }
0x15: {  	[smem:$0x3FB5] =	sst s0;
	s0 =	simm.s32 @!p2 $0x0  }
0x16: {  	s3 =	sld [smem:$0x3FDB];
	s0 =	simm.s32 @p2 $0x1  }
0x17: {  	s4 =	simm.s32 $0x1BF5;
	[smem:$0x3FB7] =	sst s0  }
0x18: {  	s0 =	sld [smem:$0x3F9A];
	_ =	swait.ge [sflag:s4], $0x0  }
0x19: {  	s7 =	sld [smem:$0x3F9B]  }
0x1a: {  	s8 =	sadd.s32 $0xFFFFE003, lr  }
0x1b: {  	s9 =	sadd.s32 $0xFFFFFEF7, lr;
	s5 =	simm.s32 $0xFFFFFFFF;
	p2 =	slt.u32 s8, $0xFFFFF086  }
0x1c: {  	p1 =	slt.u32 s9, $0xF7A;
	s5 =	simm.s32 @!p2 $0x0  }
0x1d: {  	s5 =	simm.s32 @p1 $0x1;
	p0 =	seq.s32 s7, s2  }
0x1e: {  	s7 =	smul.u32 @!p0 $0xF7A, s2;
	p2 =	seq.s32 @!p0 s5, $0x0  }
0x1f: {  	s9 =	smul.u32 $0xF7A, s1;
	s8 =	simm.s32 @!p0 $0x1BF5;
	p2 =	por !p2, p0  }
0x20: {  	[sflag:s8] =	ssyncset.s32 @!p0 $0xFFFFF086;
	s6 =	sadd.s32 @!p0 s3, s7;
	s7 =	simm.s32 @!p0 $0x108  }
0x21: {  	s3 =	sadd.s32 s3, s9;
	s6 =	sadd.s32 @!p0 $0x88, s6;
	s7 =	simm.s32 @p2 $0x1082  }
0x22: {  	[simem:s7], [sflag:s8] =	dma.local @!p0 [hbm:s6], $0xF7A  }
0x23: {  	s9 =	sor.u32 $0xD0000000, s2;
	s6 =	simm.s32 $0x108;
	_ =	swait.ge @!p0 [sflag:s8], $0x0  }
0x24: {  	s3 =	sadd.s32 $0x88, s3;
	s6 =	simm.s32 @!p1 $0x1082;
	[sflag:s4] =	ssyncset.s32 $0xFFFFF086  }
0x25: {  	[simem:s6], [sflag:s4] =	dma.local [hbm:s3], $0xF7A  }
0x26: {  	[smem:$0x3F9B] =	sst s1;
	(tag) =	ssettag s2;
	_ =	strace s9  }
0x27: {  	s1 =	sld [smem:$0x3FAB]  }
0x28: {  	s2 =	sld [smem:$0x3FAC]  }
0x29: {  	s4 =	sld [smem:$0x3FAE]  }
0x2a: {  	p0 =	seq.s32 s5, $0x0;
	s5 =	sld [smem:$0x3FAF]  }
0x2b: {  	s6 =	sld [smem:$0x3FB0]  }
0x2c: {  	s7 =	sld [smem:$0x3FB1]  }
0x2d: {  	s3 =	simm.s32 $0x108;
	s8 =	sld [smem:$0x3FB2]  }
0x2e: {  	s3 =	simm.s32 @!p0 $0x1082;
	s9 =	sld [smem:$0x3FB3]  }
0x2f: {  	lr =	sadd.s32 s0, s3;
	s0 =	sld [smem:$0x3FAA]  }
0x30: {  	s3 =	sld [smem:$0x3FAD]  }
0x31: {  	[smem:$0x3FB6] =	sst s10  }
0x32: {  	s10 =	sld [smem:$0x3FB4];
	_ =	sdelay $0x3  }
0x33: {  	p0 =	seq.s32 s10, $0x1;
	s10 =	sld [smem:$0x3FB6];
	_ =	sdelay $0x3  }
0x34: {  	[smem:$0x3FB6] =	sst s10  }
0x35: {  	s10 =	sld [smem:$0x3FB5];
	_ =	sdelay $0x3  }
0x36: {  	p1 =	seq.s32 s10, $0x1;
	s10 =	sld [smem:$0x3FB6];
	_ =	sdelay $0x3  }
0x37: {  	[smem:$0x3FB6] =	sst s10  }
0x38: {  	s10 =	sld [smem:$0x3FB7]  }
0x39: {  	_ = 	snop;
	(pc) =	sbr.ind lr, $3  }
0x3a: {  	_ = 	snop  }
0x3b: {  	_ = 	snop  }
0x3c: {  	p2 =	seq.s32 s10, $0x1;
	s10 =	sld [smem:$0x3FB6]  }
0x3d: {  	_ =	shalt  }
0x3e: {  	_ =	shalt  }
0x3f: {  	_ =	shalt  }
0x40: {  	_ =	shalt  }
0x41: {  	_ =	shalt  }
0x42: {  	_ =	shalt  }
0x43: {  	_ =	shalt  }
0x44: {  	_ =	shalt  }
0x45: {  	_ =	shalt  }
0x46: {  	_ =	shalt  }
0x47: {  	_ =	shalt  }
0x48: {  	_ =	shalt  }
0x49: {  	_ =	shalt  }
0x4a: {  	_ =	shalt  }
0x4b: {  	_ =	shalt  }
0x4c: {  	_ =	shalt  }
0x4d: {  	_ =	shalt  }
0x4e: {  	_ =	shalt  }
0x4f: {  	_ =	shalt  }
0x50: {  	_ =	shalt  }
0x51: {  	_ =	shalt  }
0x52: {  	_ =	shalt  }
0x53: {  	_ =	shalt  }
0x54: {  	_ =	shalt  }
0x55: {  	_ =	shalt  }
0x56: {  	_ =	shalt  }
0x57: {  	_ =	shalt  }
0x58: {  	_ =	shalt  }
0x59: {  	_ =	shalt  }
0x5a: {  	_ =	shalt  }
0x5b: {  	_ =	shalt  }
0x5c: {  	_ =	shalt  }
0x5d: {  	_ =	shalt  }
0x5e: {  	_ =	shalt  }
0x5f: {  	_ =	shalt  }
0x60: {  	_ =	shalt  }
0x61: {  	_ =	shalt  }
0x62: {  	_ =	shalt  }
0x63: {  	_ =	shalt  }
0x64: {  	_ =	shalt  }
0x65: {  	_ =	shalt  }
0x66: {  	_ =	shalt  }
0x67: {  	_ =	shalt  }
0x68: {  	_ =	shalt  }
0x69: {  	_ =	shalt  }
0x6a: {  	_ =	shalt  }
0x6b: {  	_ =	shalt  }
0x6c: {  	_ =	shalt  }
0x6d: {  	_ =	shalt  }
0x6e: {  	_ =	shalt  }
0x6f: {  	_ =	shalt  }
0x70: {  	_ =	shalt  }
0x71: {  	_ =	shalt  }
0x72: {  	_ =	shalt  }
0x73: {  	_ =	shalt  }
0x74: {  	_ =	shalt  }
0x75: {  	_ =	shalt  }
0x76: {  	_ =	shalt  }
0x77: {  	_ =	shalt  }
0x78: {  	_ =	shalt  }
0x79: {  	_ =	shalt  }
0x7a: {  	_ =	shalt  }
0x7b: {  	_ =	shalt  }
0x7c: {  	_ =	shalt  }
0x7d: {  	_ =	shalt  }
0x7e: {  	_ =	shalt  }
0x7f: {  	_ =	shalt  }
0x80: {  	_ =	shalt  }
0x81: {  	_ =	shalt  }
0x82: {  	_ =	shalt  }
0x83: {  	_ =	shalt  }
0x84: {  	_ =	shalt  }
0x85: {  	_ =	shalt  }
0x86: {  	_ =	shalt  }
0x87: {  	_ =	shalt  }
.Lfunc_end0:
.L_simem_size_0:
called_computation_lowered:
.L_overlay_start_0:
0x88: {  	s2 =	sld [smem:$0x3FD9]  }
0x89: {  	s3 =	sld [smem:$0x3FFE];
	_ =	sdelay $0x1  }
0x8a: {  	s1 =	srdreg.scid  }
0x8b: {  	s0 =	sand.u32 $0x1, s1  }
0x8c: {  	s17 =	sshll.u32 s0, $0xA;
	s2 =	sadd.s32 s3, s2  }
0x8d: {  	s2 =	sadd.s32 s2, s17  }
0x8e: {  	[smem:$0x3FC2] =	sst s2  }
0x8f: {  	_ = 	snop  }
0x90: {  	s2 =	sld [smem:$0x3FD0];
	(tm) =	ssettm $0x1  }
0x91: {  	s18 =	sld [smem:$0x3FFB];
	_ =	sdelay $0x3  }
0x92: {  	_ =	strace s18  }
0x93: {  	s3 =	sld [smem:$0x3FFC];
	_ =	sdelay $0x3  }
0x94: {  	_ =	strace s3  }
0x95: {  	s3 =	sld [smem:$0x3FFD];
	_ =	sdelay $0x3  }
0x96: {  	_ =	strace s3  }
0x97: {  	_ =	strace $0x8FFFFFFF  }
0x98: {  	s19 =	sld [smem:$0x3FDB];
	_ =	sdelay $0x1  }
0x99: {  	s4 =	simm.s32 $_scs_section_size  }
0x9a: {  	s5 =	simm.s32 $_size__tile_overlayer_lowered;
	s6 =	simm.s32 $_tile_overlayer_lowered  }
0x9b: {  	s22 =	simm.s32 $0x1BFF;
	s21 =	sshll.u32 s6, $0x1;
	s3 =	sadd.s32 s4, s19  }
0x9c: {  	s7 =	simm.s32 $0x0;
	s20 =	sshll.u32 s5, $0x1;
	s5 =	sadd.s32 s21, s3  }
0x9d: {  	[timem:s7], [sflag:s22] =	dma.local [hbm:s5], s20  }
0x9e: {  	_ =	swait.ge [sflag:s22], s20  }
0x9f: {  	s4 =	ssub.s32 $0x0, s20;
	[sflag:s22] =	ssyncset.done $0x0  }
0xa0: {  	[sflag:s22] =	ssyncadd.s32 s4;
	_ =	sdelay $0x1  }
0xa1: {  	s23 =	simm.s32 $0x1B8B  }
0xa2: {  	_ =	swait.ge [sflag:s23], $0x1  }
0xa3: {  	[sflag:s23] =	ssyncset.done $0x0  }
0xa4: {  	s25 =	simm.s32 $0x1B8E;
	s24 =	sld [smem:$0x3FFE];
	[sflag:s23] =	ssyncadd.s32 $0xFFFFFFFF  }
0xa5: {  	s26 =	simm.s32 $execute0_lowered;
	[smem:$0x3FD2] =	sst s25  }
0xa6: {  	s5 =	sshll.u32 s26, $0x1;
	_ =	strace $0x80000046;
	[dreg:$0x1] =	wrdreg $0xFFFFFFFF  }
0xa7: {  	s28 =	simm.s32 $_size_execute0_lowered;
	s3 =	sadd.s32 s3, s5;
	[dreg:$0x0] =	wrdreg $0x0  }
0xa8: {  	s5 =	sshll.u32 s28, $0x1;
	[dreg:$0x2] =	wrdreg s3  }
0xa9: {  	[dreg:$0x3] =	wrdreg s5  }
0xaa: {  	[dreg:$0x4] =	wrdreg $0xC0  }
0xab: {  	_ =	task [dreg:s7], $0x5FFFF  }
0xac: {  	[dreg:$0x1] =	wrdreg $0xFFFFFFFF  }
0xad: {  	[dreg:$0x0] =	wrdreg $0x60  }
0xae: {  	[dreg:$0x2] =	wrdreg s24  }
0xaf: {  	[dreg:$0x3] =	wrdreg s2  }
0xb0: {  	[dreg:$0x4] =	wrdreg $0x0  }
0xb1: {  	[dreg:$0x5] =	wrdreg $0x9  }
0xb2: {  	_ =	task.clear_ibuf [dreg:s7], $0x6FFFF;
	_ =	strace $0x90000046  }
0xb3: {  	s29 =	simm.s32 $0x9;
	_ =	strace $0x80000048  }
0xb4: {  	_ =	swait.ge [sflag:s29], $0x1  }
0xb5: {  	[sflag:s29] =	ssyncadd.s32 $0xFFFFFFFF  }
0xb6: {  	_ =	strace $0x90000048  }
0xb7: {  	_ =	sfence  }
0xb8: {  	s30 =	sld [smem:$0x0];
	_ =	sdelay $0x2  }
0xb9: {  	s31 =	sshll.u32 s1, $0xD;
	s1 =	sshrl.u32 s1, $0x2  }
0xba: {  	s3 =	sand.u32 $0x4000, s31;
	s1 =	sadd.s32 s1, s30  }
0xbb: {  	s0 =	sor.u32 s3, s0;
	s1 =	sshll.u32 s1, $0x11  }
0xbc: {  	s0 =	sor.u32 s1, s0  }
0xbd: {  	s0 =	sadd.s32 $0x8F2B, s0  }
0xbe: {  	[sflag:s0] =	ssyncadd.remote.s32 $0x1  }
0xbf: {  	_ =	sfence.sel $0xFFFF  }
0xc0: {  	[dreg:$0x0] =	wrdreg $0xFFFFFFFF;
	(pc) =	sbr.abs _section_cstart, $3  }
0xc1: {  	[dreg:$0x1] =	wrdreg $0xFFFFFFFF  }
0xc2: {  	_ =	task.clear_ibuf [dreg:s7], $0x2FFFF;
	_ =	strace $0x9FFFFFFF  }
0xc3: {  	(tm) =	ssettm $0x7FFFFFFF  }
tec
execute0_lowered:
.L_overlay_start_1:
0x0: {  	(tag) =	ssettag $0x1  }
0x1: {  	s7 =	rddreg [dreg:$0x0]  }
0x2: {  	s2 =	rddreg [dreg:$0x1]  }
0x3: {  	s3 =	rddreg [dreg:$0x2]  }
0x4: {  	s0 =	rddreg [dreg:$0x3]  }
0x5: {  	s1 =	stileid.u32;
	s5 =	srdreg.scid;
	s4 =	simm.s32 $0x0  }
0x6: {  	s15 =	simm.s32 $0x0;
	s8 =	smul.u32 $0x2780, s1;
	s5 =	sand.u32 $0x1, s5  }
0x7: {  	[smem:$0x7FF] =	sst s4;
	s9 =	sshll.u32 s1, $0x1;
	s31 =	sshll.u32 s1, $0x6  }
0x8: {  	s6 =	smul.u32 $0x27800, s5;
	_ =	strace $0x80000047;
	s9 =	sor.u32 s5, s9  }
0x9: {  	s11 =	ssub.s32 $0x2, s5;
	s5 =	simm.s32 $0x33;
	s10 =	sshrl.u32 s8, $0x3  }
0xa: {  	s12 =	smul.u32 $0x2780, s9;
	s28 =	sshrl.u32 s11, $0x1;
	p0 =	seq.s32 s9, $0x1F  }
0xb: {  	s14 =	sadd.s32 s8, s3;
	s6 =	sadd.s32 s8, s6;
	s10 =	sadd.s32 s10, s7  }
0xc: {  	s11 =	ssub.s32 s11, s28;
	s5 =	simm.s32 @!p0 $0x4F;
	s14 =	sshrl.u32 s14, $0x3  }
0xd: {  	s6 =	sshrl.u32 s6, $0x3;
	s29 =	sshrl.u32 s12, $0x3;
	s8 =	sadd.s32 $0x16000, s10  }
0xe: {  	s10 =	smax.u32 s11, $0x1;
	s11 =	simm.s32 $0x4F00;
	s12 =	simm.s32 $0x1  }
0xf: {  	s13 =	sadd.s32 s6, s7;
	s30 =	sadd.s32 s7, s29;
	s7 =	sadd.s32 $0x15B50, s7  }
0x10: {  	s6 =	sadd.s32 $0xC240, s30;
	s9 =	sadd.s32 $0x1B000, s13;
	s13 =	sor.u32 $0x1C01, s31  }
.LBB2_1:
0x11: {  	s16 =	simm.s32 @p0 $0x0;
	s17 =	simm.s32 @p0 $0x2780  }
0x12: {  	[tilespmem:s17], [sflag:$0x1] =	stream.linear.gather @p0 [hbm4b:s7+s16], $0x1980, $0x38;
	[tilespmem:$0x5700] =	vst v63  }
0x13: {  	s16 =	simm.s32 @p0 $0x1  }
0x14: {  	_ =	swait.ge @p0 [sflag:s16], $0x1980  }
0x15: {  	[sflag:s16] =	ssyncset.done @p0 $0x0  }
0x16: {  	s17 =	simm.s32 @!p0 $0x2780;
	[sflag:s16] =	ssyncadd.s32 @p0 $0xFFFFE680;
	s16 =	simm.s32 @!p0 $0x0  }
0x17: {  	[tilespmem:s17], [sflag:$0x1] =	stream.linear.gather @!p0 [hbm4b:s6+s16], $0x2780, $0x38;
	[tilespmem:$0x5700] =	vst v63  }
0x18: {  	s16 =	simm.s32 @!p0 $0x1  }
0x19: {  	_ =	swait.ge @!p0 [sflag:s16], $0x2780  }
0x1a: {  	[sflag:s16] =	ssyncset.done @!p0 $0x0  }
0x1b: {  	[sflag:s16] =	ssyncadd.s32 @!p0 $0xFFFFD880  }
0x1c: {  	[tilespmem:s11], [sflag:$0x1] =	stream.linear.gather [hbm4b:s2+s4], $0x800, $0x38;
	[tilespmem:$0x5700] =	vst v63  }
0x1d: {  	_ =	swait.ge [sflag:s12], $0x800  }
0x1e: {  	[sflag:s12] =	ssyncset.done $0x0  }
0x1f: {  	[sflag:s12] =	ssyncadd.s32 $0xFFFFF800  }
0x20: {  	[spmem:s14], [sflag:s13] =	dma.local [hbm:s8], $0x4F0  }
0x21: {  	_ =	swait.ge [sflag:s12], $0x4F0  }
0x22: {  	p1 =	sle.u32 s5, $0x0;
	[sflag:s12] =	ssyncset.done $0x0  }
0x23: {  	s19 =	simm.s32 @!p1 $0x4F00;
	s18 =	simm.s32 @!p1 $0x1;
	[sflag:s12] =	ssyncadd.s32 $0xFFFFFB10  }
0x24: {  	s17 =	simm.s32 @!p1 $0x80;
	s16 =	simm.s32 $0x2780;
	[bflag:$0x0] =	sbarrier.arrive $0xFFFF  }
0x25: {  	[spmem:s3] =	stream.indirect.scatter.add.f32 @!p1 [tilespmem:s19], [sflag:$0x1], $0x10, s16, s17, $0xb8;
	[tilespmem:$0x5700] =	vst v63  }
0x26: {  	_ =	swait.ge @!p1 [sflag:s18], $0x800  }
0x27: {  	s17 =	simm.s32 $0x1;
	[sflag:s18] =	ssyncset.done @!p1 $0x0  }
.LBB2_2:
0x28: {  	[sflag:s18] =	ssyncadd.s32 @!p1 $0xFFFFF800;
	s18 =	smov.u32 s17;
	s17 =	sadd.s32 $0x1, s17  }
0x29: {  	s16 =	sadd.s32 $0x80, s16;
	p2 =	sne.s32 s17, $0x4F  }
.Ltmp0:
0x2a: {  	p1 =	sge.u32 s18, s5;
	(pc) =	sbr.rel @p2 .LBB2_2-.Ltmp0, $4  }
0x2b: {  	s19 =	simm.s32 @!p1 $0x80;
	s20 =	simm.s32 @!p1 $0x4F00;
	s18 =	simm.s32 @!p1 $0x1  }
0x2c: {  	[spmem:s3] =	stream.indirect.scatter.add.f32 @!p1 [tilespmem:s20], [sflag:$0x1], $0x10, s16, s19, $0xb8;
	[tilespmem:$0x5700] =	vst v63  }
0x2d: {  	_ =	swait.ge @!p1 [sflag:s18], $0x800  }
0x2e: {  	[sflag:s18] =	ssyncset.done @!p1 $0x0  }
0x2f: {  	s15 =	sadd.s32 $0x1, s15  }
0x30: {  	[sflag:s18] =	ssyncadd.s32 @!p1 $0xFFFFF800;
	p1 =	sne.s32 s15, s10  }
.Ltmp1:
0x31: {  	[bflag:$0x0] =	sbarrier.arrive $0xFFFF;
	(pc) =	sbr.rel @p1 .LBB2_1-.Ltmp1, $4  }
0x32: {  	[hbm:s9], [sflag:s13] =	dma.local [spmem:s14], $0x4F0  }
0x33: {  	_ =	swait.ge [sflag:s12], $0x4F0  }
0x34: {  	[sflag:s12] =	ssyncset.done $0x0  }
0x35: {  	[sflag:s12] =	ssyncadd.s32 $0xFFFFFB10  }
0x36: {  	_ =	sfence.sel $0x180000  }
0x37: {  	[bflag:$0x0] =	sbarrier.arrive $0xFFFF  }
0x38: {  	p0 =	sne.s32 s1, $0x0;
	_ =	strace $0x90000047  }
0x39: {  	s0 =	sadd.s32 @!p0 $0x100000, s0;
	[bflag:$0x2] =	sbarrier.arrive $0xFFFF  }
0x3a: {  	[sflag:s0] =	ssyncadd.tile.s32 @!p0 $0x1;
	_ =	shalt  }
.Lfunc_end2:
_tile_overlayer_lowered:
.L_overlay_start_2:
0x3b: {  	(tag) =	ssettag $0x2  }
0x3c: {  	s0 =	rddreg [dreg:$0x0];
	s2 =	stileid.u32  }
0x3d: {  	s1 =	rddreg [dreg:$0x1];
	p0 =	sne.s32 s2, $0x0  }
0x3e: {  	s3 =	rddreg [dreg:$0x2];
	[bflag:$0x3] =	sbarrier.arrive $0xFFFF;
	s2 =	simm.s32 @!p0 $0x1C01  }
0x3f: {  	[timem:s3], [sflag:s2] =	dma.local @!p0 [hbm:s0], s1  }
0x40: {  	s0 =	simm.s32 @!p0 $0x1  }
0x41: {  	_ =	swait.ge @!p0 [sflag:s0], s1  }
0x42: {  	s1 =	ssub.s32 @!p0 $0x0, s1;
	[sflag:s0] =	ssyncset.done @!p0 $0x0  }
0x43: {  	[sflag:s0] =	ssyncadd.s32 @!p0 s1  }
0x44: {  	[bflag:$0x3] =	sbarrier.arrive $0xFFFF  }
0x45: {  	_ =	shalt  }

</sc_bundles>
